<compile_context>
chip_gen: v7x
topology: tpu7x:2x2x1
jax: 0.10.2.dev20260603
libtpu: 0.0.44.dev20260713+nightly
codegen_flags: <defaults>
</compile_context>

<pallas_src>
import functools

import jax
import jax.numpy as jnp
from jax import lax
from jax.experimental import pallas as pl
from jax.experimental.pallas import tpu as pltpu
from jax.experimental.pallas import tpu_sc as plsc

_COMMITMENT_COST = 0.25

_NC = 2
_NS = 16
_NW = _NC * _NS

_CH = 64


def _sc_gather_rows(x, W):
    B = x.shape[0]
    K, D = W.shape
    b_per_w = B // _NW
    nch = b_per_w // _CH

    mesh = plsc.VectorSubcoreMesh(
        core_axis_name="c", subcore_axis_name="s",
        num_cores=_NC, num_subcores=_NS,
    )

    nbuf = min(6, nch)

    @functools.partial(
        pl.kernel,
        out_type=jax.ShapeDtypeStruct((B, D), jnp.float32),
        mesh=mesh,
        scratch_types=[
            pltpu.VMEM((b_per_w,), jnp.int32),
            pltpu.VMEM((nbuf, _CH, D), jnp.float32),
            [pltpu.SemaphoreType.DMA] * nbuf,
            [pltpu.SemaphoreType.DMA] * nbuf,
        ],
    )
    def gather_kernel(idx_hbm, table_hbm, out_hbm, idx_v, rows_v, gsems, wsems):
        wid = lax.axis_index("s") * _NC + lax.axis_index("c")
        base = wid * b_per_w
        pltpu.sync_copy(idx_hbm.at[pl.ds(base, b_per_w)], idx_v)
        gcp = [None] * nbuf
        wcp = [None] * nbuf
        for c in range(nbuf):
            gcp[c] = pltpu.async_copy(
                table_hbm.at[idx_v.at[pl.ds(c * _CH, _CH)]],
                rows_v.at[c], gsems[c])
        for c in range(nch):
            b = c % nbuf
            gcp[b].wait()
            wcp[b] = pltpu.async_copy(
                rows_v.at[b], out_hbm.at[pl.ds(base + c * _CH, _CH)],
                wsems[b])
            nc = c + nbuf
            if nc < nch:
                wcp[b].wait()
                gcp[b] = pltpu.async_copy(
                    table_hbm.at[idx_v.at[pl.ds(nc * _CH, _CH)]],
                    rows_v.at[b], gsems[b])
                wcp[b] = None
        for b in range(nbuf):
            if wcp[b] is not None:
                wcp[b].wait()

    return gather_kernel(x, W)


def _tc_loss_and_zero_diff(W, B):
    K, D = W.shape
    grid = 8
    blk_k = K // grid
    blk_b = B // grid

    def body(w_ref, loss_ref, diff_ref):
        i = pl.program_id(0)

        @pl.when(i == 0)
        def _():
            loss_ref[0, 0] = 0.0

        w = w_ref[...]
        loss_ref[0, 0] += _COMMITMENT_COST * jnp.sum(w * w)
        diff_ref[...] = jnp.zeros_like(diff_ref)

    loss2d, diff = pl.pallas_call(
        body,
        grid=(grid,),
        in_specs=[pl.BlockSpec((blk_k, D), lambda i: (i, 0))],
        out_specs=[
            pl.BlockSpec(memory_space=pltpu.SMEM),
            pl.BlockSpec((blk_b, D), lambda i: (i, 0)),
        ],
        out_shape=[
            jax.ShapeDtypeStruct((1, 1), jnp.float32),
            jax.ShapeDtypeStruct((B, D), jnp.float32),
        ],
    )(W)
    return loss2d[0, 0], diff


def kernel(x, W):
    B = x.shape[0]
    x = x.astype(jnp.int32)
    W = W.astype(jnp.float32)
    quantized = _sc_gather_rows(x, W)
    loss, diff = _tc_loss_and_zero_diff(W, B)
    return (loss, quantized, diff)

# --- scband reference (transcript-rebuilt; emitter-appended) ---
"""Pipeline reference for scband-vector-quantizer-7129645711678 (READ-ONLY COPY).

The authoritative reference and input builder live on the scoring server;
editing this copy changes nothing except your own understanding.
"""

import jax, jax.numpy as jnp
import numpy as np

NUM_EMBEDDINGS = 8192
EMBEDDING_DIM = 256
BATCH = 16384
COMMITMENT_COST = 0.25
EMBEDDING_SCALE = 0.1


def setup_inputs(seed: int = 0) -> dict:
    key = jax.random.key(seed)
    k1, k2 = jax.random.split(key)
    x = jax.random.randint(k1, (BATCH,), 0, NUM_EMBEDDINGS, dtype=jnp.int64 if jax.config.jax_enable_x64 else jnp.int32)
    W = jax.random.uniform(k2, (NUM_EMBEDDINGS, EMBEDDING_DIM), minval=-EMBEDDING_SCALE, maxval=EMBEDDING_SCALE, dtype=jnp.float32)
    return {"x": x, "W": W}


def reference(x, W):
    # x: int indices [B]; W: embedding table [K, d]
    batch_size = x.shape[0]
    x_emb = jnp.take(W, x, axis=0)                 # embedding lookup [B, d]
    x_emb = x_emb.reshape(batch_size, -1)
    distances = (x_emb ** 2).sum(axis=1, keepdims=True) \
        + (W ** 2).sum(axis=1) \
        - 2.0 * x_emb @ W.T                        # [B, K]
    assignments = jnp.argmin(distances, axis=1)    # [B]
    quantized = W[assignments]                     # gather [B, d]
    diff = quantized - x_emb
    loss = (diff ** 2).sum(axis=1).mean()
    loss = loss + COMMITMENT_COST * (W ** 2).sum()
    return (loss, quantized, diff)

if __name__ == "__main__":
    import jax
    _d = setup_inputs()
    print(jax.jit(kernel)(*tuple(_d.values())))

</pallas_src>

<mosaic_0001>
#map = affine_map<(d0, d1) -> (0)>
#map1 = affine_map<(d0, d1) -> (0, 0)>
module attributes {stable_mosaic.version = 14 : i64} {
  func.func @gather_kernel(%arg0: i32, %arg1: i32, %arg2: memref<16384xi32, #tpu.memory_space<hbm>>, %arg3: memref<8192x256xf32, #tpu.memory_space<hbm>>, %arg4: memref<16384x256xf32, #tpu.memory_space<hbm>>, %arg5: memref<512xi32, #tpu.memory_space<vmem>>, %arg6: memref<6x64x256xf32, #tpu.memory_space<vmem>>, %arg7: memref<!tpu.dma_semaphore, #tpu.memory_space<semaphore_mem>>, %arg8: memref<!tpu.dma_semaphore, #tpu.memory_space<semaphore_mem>>, %arg9: memref<!tpu.dma_semaphore, #tpu.memory_space<semaphore_mem>>, %arg10: memref<!tpu.dma_semaphore, #tpu.memory_space<semaphore_mem>>, %arg11: memref<!tpu.dma_semaphore, #tpu.memory_space<semaphore_mem>>, %arg12: memref<!tpu.dma_semaphore, #tpu.memory_space<semaphore_mem>>, %arg13: memref<!tpu.dma_semaphore, #tpu.memory_space<semaphore_mem>>, %arg14: memref<!tpu.dma_semaphore, #tpu.memory_space<semaphore_mem>>, %arg15: memref<!tpu.dma_semaphore, #tpu.memory_space<semaphore_mem>>, %arg16: memref<!tpu.dma_semaphore, #tpu.memory_space<semaphore_mem>>, %arg17: memref<!tpu.dma_semaphore, #tpu.memory_space<semaphore_mem>>, %arg18: memref<!tpu.dma_semaphore, #tpu.memory_space<semaphore_mem>>) attributes {dimension_semantics = [#tpu.dimension_semantics<core_parallel>, #tpu.dimension_semantics<subcore_parallel>], iteration_bounds = array<i64: 2, 16>, scalar_prefetch = 0 : i64, scratch_operands = 14 : i64, tpu.core_type = #tpu.core_type<sc_vector_subcore>, window_params = [{transform_indices = #map}, {transform_indices = #map1}, {transform_indices = #map1}]} {
    %mul3A = arith.constant 2 : i32
    %mul3A_0 = arith.muli %arg1, %mul3A : i32
    %add3A = arith.addi %mul3A_0, %arg0 : i32
    %mul3A_1 = arith.constant 512 : i32
    %mul3A_2 = arith.muli %add3A, %mul3A_1 : i32
    "tpu.region"() ({
      %run_scoped3A = tpu.sem_alloc : memref<!tpu.dma_semaphore, #tpu.memory_space<semaphore_mem>>
      %dma_start3A_385 = tpu.memref_slice %arg2[%mul3A_2] : memref<16384xi32, #tpu.memory_space<hbm>> -> memref<512xi32, #tpu.memory_space<hbm>>
      %dma_start3A_386 = tpu.memref_slice %arg2[%mul3A_2] : memref<16384xi32, #tpu.memory_space<hbm>> -> memref<512xi32, #tpu.memory_space<hbm>>
      tpu.enqueue_dma source(%dma_start3A_386 : memref<512xi32, #tpu.memory_space<hbm>>) target(%arg5 : memref<512xi32, #tpu.memory_space<vmem>>) target_semaphore(%run_scoped3A : memref<!tpu.dma_semaphore, #tpu.memory_space<semaphore_mem>>)
      %dma_wait3A_387 = tpu.memref_slice %arg2[%mul3A_2] : memref<16384xi32, #tpu.memory_space<hbm>> -> memref<512xi32, #tpu.memory_space<hbm>>
      %dma_wait3A_388 = tpu.memref_slice %arg2[%mul3A_2] : memref<16384xi32, #tpu.memory_space<hbm>> -> memref<512xi32, #tpu.memory_space<hbm>>
      tpu.wait_dma2 semaphore(%run_scoped3A : memref<!tpu.dma_semaphore, #tpu.memory_space<semaphore_mem>>) src(%dma_wait3A_388 : memref<512xi32, #tpu.memory_space<hbm>>) dst(%arg5 : memref<512xi32, #tpu.memory_space<vmem>>)
      tpu.yield
    }) : () -> ()
    %dma_start3A = arith.constant 0 : i32
    %dma_start3A_3 = arith.constant 0 : i32
    %dma_start3A_4 = arith.constant 0 : i32
    %dma_start3A_5 = tpu.memref_slice %arg6[%dma_start3A, %dma_start3A_3, %dma_start3A_4] : memref<6x64x256xf32, #tpu.memory_space<vmem>> -> memref<1x64x256xf32, #tpu.memory_space<vmem>>
    %dma_start3A_6 = tpu.memref_squeeze %dma_start3A_5 : memref<1x64x256xf32, #tpu.memory_space<vmem>> -> memref<64x256xf32, #tpu.memory_space<vmem>>
    %dma_start3A_7 = arith.constant 0 : i32
    %dma_start3A_8 = tpu.memref_slice %arg5[%dma_start3A_7] : memref<512xi32, #tpu.memory_space<vmem>> -> memref<64xi32, #tpu.memory_space<vmem>>
    %dma_start3A_9 = arith.constant 0 : i32
    %dma_start3A_10 = arith.constant 0 : i32
    %dma_start3A_11 = tpu.memref_slice %arg3[%dma_start3A_9, %dma_start3A_10] : memref<8192x256xf32, #tpu.memory_space<hbm>> -> memref<8192x256xf32, #tpu.memory_space<hbm>>
    tpu.enqueue_indirect_dma source(%dma_start3A_11 : memref<8192x256xf32, #tpu.memory_space<hbm>>) target(%dma_start3A_6 : memref<64x256xf32, #tpu.memory_space<vmem>>) offsets(%dma_start3A_8 : memref<64xi32, #tpu.memory_space<vmem>>) semaphore(%arg7 : memref<!tpu.dma_semaphore, #tpu.memory_space<semaphore_mem>>)
    %dma_start3A_12 = arith.constant 1 : i32
    %dma_start3A_13 = arith.constant 0 : i32
    %dma_start3A_14 = arith.constant 0 : i32
    %dma_start3A_15 = tpu.memref_slice %arg6[%dma_start3A_12, %dma_start3A_13, %dma_start3A_14] : memref<6x64x256xf32, #tpu.memory_space<vmem>> -> memref<1x64x256xf32, #tpu.memory_space<vmem>>
    %dma_start3A_16 = tpu.memref_squeeze %dma_start3A_15 : memref<1x64x256xf32, #tpu.memory_space<vmem>> -> memref<64x256xf32, #tpu.memory_space<vmem>>
    %dma_start3A_17 = arith.constant 64 : i32
    %dma_start3A_18 = tpu.memref_slice %arg5[%dma_start3A_17] : memref<512xi32, #tpu.memory_space<vmem>> -> memref<64xi32, #tpu.memory_space<vmem>>
    %dma_start3A_19 = arith.constant 0 : i32
    %dma_start3A_20 = arith.constant 0 : i32
    %dma_start3A_21 = tpu.memref_slice %arg3[%dma_start3A_19, %dma_start3A_20] : memref<8192x256xf32, #tpu.memory_space<hbm>> -> memref<8192x256xf32, #tpu.memory_space<hbm>>
    tpu.enqueue_indirect_dma source(%dma_start3A_21 : memref<8192x256xf32, #tpu.memory_space<hbm>>) target(%dma_start3A_16 : memref<64x256xf32, #tpu.memory_space<vmem>>) offsets(%dma_start3A_18 : memref<64xi32, #tpu.memory_space<vmem>>) semaphore(%arg8 : memref<!tpu.dma_semaphore, #tpu.memory_space<semaphore_mem>>)
    %dma_start3A_22 = arith.constant 2 : i32
    %dma_start3A_23 = arith.constant 0 : i32
    %dma_start3A_24 = arith.constant 0 : i32
    %dma_start3A_25 = tpu.memref_slice %arg6[%dma_start3A_22, %dma_start3A_23, %dma_start3A_24] : memref<6x64x256xf32, #tpu.memory_space<vmem>> -> memref<1x64x256xf32, #tpu.memory_space<vmem>>
    %dma_start3A_26 = tpu.memref_squeeze %dma_start3A_25 : memref<1x64x256xf32, #tpu.memory_space<vmem>> -> memref<64x256xf32, #tpu.memory_space<vmem>>
    %dma_start3A_27 = arith.constant 128 : i32
    %dma_start3A_28 = tpu.memref_slice %arg5[%dma_start3A_27] : memref<512xi32, #tpu.memory_space<vmem>> -> memref<64xi32, #tpu.memory_space<vmem>>
    %dma_start3A_29 = arith.constant 0 : i32
    %dma_start3A_30 = arith.constant 0 : i32
    %dma_start3A_31 = tpu.memref_slice %arg3[%dma_start3A_29, %dma_start3A_30] : memref<8192x256xf32, #tpu.memory_space<hbm>> -> memref<8192x256xf32, #tpu.memory_space<hbm>>
    tpu.enqueue_indirect_dma source(%dma_start3A_31 : memref<8192x256xf32, #tpu.memory_space<hbm>>) target(%dma_start3A_26 : memref<64x256xf32, #tpu.memory_space<vmem>>) offsets(%dma_start3A_28 : memref<64xi32, #tpu.memory_space<vmem>>) semaphore(%arg9 : memref<!tpu.dma_semaphore, #tpu.memory_space<semaphore_mem>>)
    %dma_start3A_32 = arith.constant 3 : i32
    %dma_start3A_33 = arith.constant 0 : i32
    %dma_start3A_34 = arith.constant 0 : i32
    %dma_start3A_35 = tpu.memref_slice %arg6[%dma_start3A_32, %dma_start3A_33, %dma_start3A_34] : memref<6x64x256xf32, #tpu.memory_space<vmem>> -> memref<1x64x256xf32, #tpu.memory_space<vmem>>
    %dma_start3A_36 = tpu.memref_squeeze %dma_start3A_35 : memref<1x64x256xf32, #tpu.memory_space<vmem>> -> memref<64x256xf32, #tpu.memory_space<vmem>>
    %dma_start3A_37 = arith.constant 192 : i32
    %dma_start3A_38 = tpu.memref_slice %arg5[%dma_start3A_37] : memref<512xi32, #tpu.memory_space<vmem>> -> memref<64xi32, #tpu.memory_space<vmem>>
    %dma_start3A_39 = arith.constant 0 : i32
    %dma_start3A_40 = arith.constant 0 : i32
    %dma_start3A_41 = tpu.memref_slice %arg3[%dma_start3A_39, %dma_start3A_40] : memref<8192x256xf32, #tpu.memory_space<hbm>> -> memref<8192x256xf32, #tpu.memory_space<hbm>>
    tpu.enqueue_indirect_dma source(%dma_start3A_41 : memref<8192x256xf32, #tpu.memory_space<hbm>>) target(%dma_start3A_36 : memref<64x256xf32, #tpu.memory_space<vmem>>) offsets(%dma_start3A_38 : memref<64xi32, #tpu.memory_space<vmem>>) semaphore(%arg10 : memref<!tpu.dma_semaphore, #tpu.memory_space<semaphore_mem>>)
    %dma_start3A_42 = arith.constant 4 : i32
    %dma_start3A_43 = arith.constant 0 : i32
    %dma_start3A_44 = arith.constant 0 : i32
    %dma_start3A_45 = tpu.memref_slice %arg6[%dma_start3A_42, %dma_start3A_43, %dma_start3A_44] : memref<6x64x256xf32, #tpu.memory_space<vmem>> -> memref<1x64x256xf32, #tpu.memory_space<vmem>>
    %dma_start3A_46 = tpu.memref_squeeze %dma_start3A_45 : memref<1x64x256xf32, #tpu.memory_space<vmem>> -> memref<64x256xf32, #tpu.memory_space<vmem>>
    %dma_start3A_47 = arith.constant 256 : i32
    %dma_start3A_48 = tpu.memref_slice %arg5[%dma_start3A_47] : memref<512xi32, #tpu.memory_space<vmem>> -> memref<64xi32, #tpu.memory_space<vmem>>
    %dma_start3A_49 = arith.constant 0 : i32
    %dma_start3A_50 = arith.constant 0 : i32
    %dma_start3A_51 = tpu.memref_slice %arg3[%dma_start3A_49, %dma_start3A_50] : memref<8192x256xf32, #tpu.memory_space<hbm>> -> memref<8192x256xf32, #tpu.memory_space<hbm>>
    tpu.enqueue_indirect_dma source(%dma_start3A_51 : memref<8192x256xf32, #tpu.memory_space<hbm>>) target(%dma_start3A_46 : memref<64x256xf32, #tpu.memory_space<vmem>>) offsets(%dma_start3A_48 : memref<64xi32, #tpu.memory_space<vmem>>) semaphore(%arg11 : memref<!tpu.dma_semaphore, #tpu.memory_space<semaphore_mem>>)
    %dma_start3A_52 = arith.constant 5 : i32
    %dma_start3A_53 = arith.constant 0 : i32
    %dma_start3A_54 = arith.constant 0 : i32
    %dma_start3A_55 = tpu.memref_slice %arg6[%dma_start3A_52, %dma_start3A_53, %dma_start3A_54] : memref<6x64x256xf32, #tpu.memory_space<vmem>> -> memref<1x64x256xf32, #tpu.memory_space<vmem>>
    %dma_start3A_56 = tpu.memref_squeeze %dma_start3A_55 : memref<1x64x256xf32, #tpu.memory_space<vmem>> -> memref<64x256xf32, #tpu.memory_space<vmem>>
    %dma_start3A_57 = arith.constant 320 : i32
    %dma_start3A_58 = tpu.memref_slice %arg5[%dma_start3A_57] : memref<512xi32, #tpu.memory_space<vmem>> -> memref<64xi32, #tpu.memory_space<vmem>>
    %dma_start3A_59 = arith.constant 0 : i32
    %dma_start3A_60 = arith.constant 0 : i32
    %dma_start3A_61 = tpu.memref_slice %arg3[%dma_start3A_59, %dma_start3A_60] : memref<8192x256xf32, #tpu.memory_space<hbm>> -> memref<8192x256xf32, #tpu.memory_space<hbm>>
    tpu.enqueue_indirect_dma source(%dma_start3A_61 : memref<8192x256xf32, #tpu.memory_space<hbm>>) target(%dma_start3A_56 : memref<64x256xf32, #tpu.memory_space<vmem>>) offsets(%dma_start3A_58 : memref<64xi32, #tpu.memory_space<vmem>>) semaphore(%arg12 : memref<!tpu.dma_semaphore, #tpu.memory_space<semaphore_mem>>)
    %dma_wait3A = arith.constant 0 : i32
    %dma_wait3A_62 = arith.constant 0 : i32
    %dma_wait3A_63 = arith.constant 0 : i32
    %dma_wait3A_64 = tpu.memref_slice %arg6[%dma_wait3A, %dma_wait3A_62, %dma_wait3A_63] : memref<6x64x256xf32, #tpu.memory_space<vmem>> -> memref<1x64x256xf32, #tpu.memory_space<vmem>>
    %dma_wait3A_65 = tpu.memref_squeeze %dma_wait3A_64 : memref<1x64x256xf32, #tpu.memory_space<vmem>> -> memref<64x256xf32, #tpu.memory_space<vmem>>
    %dma_wait3A_66 = arith.constant 0 : i32
    %dma_wait3A_67 = tpu.memref_slice %arg5[%dma_wait3A_66] : memref<512xi32, #tpu.memory_space<vmem>> -> memref<64xi32, #tpu.memory_space<vmem>>
    %dma_wait3A_68 = arith.constant 0 : i32
    %dma_wait3A_69 = arith.constant 0 : i32
    %dma_wait3A_70 = tpu.memref_slice %arg3[%dma_wait3A_68, %dma_wait3A_69] : memref<8192x256xf32, #tpu.memory_space<hbm>> -> memref<8192x256xf32, #tpu.memory_space<hbm>>
    tpu.wait_indirect_dma semaphore(%arg7 : memref<!tpu.dma_semaphore, #tpu.memory_space<semaphore_mem>>) src(%dma_wait3A_70 : memref<8192x256xf32, #tpu.memory_space<hbm>>) dst(%dma_wait3A_65 : memref<64x256xf32, #tpu.memory_space<vmem>>)
    %add3A_71 = arith.constant 0 : i32
    %add3A_72 = arith.addi %mul3A_2, %add3A_71 : i32
    %dma_start3A_73 = arith.constant 0 : i32
    %dma_start3A_74 = arith.constant 0 : i32
    %dma_start3A_75 = arith.constant 0 : i32
    %dma_start3A_76 = tpu.memref_slice %arg6[%dma_start3A_73, %dma_start3A_74, %dma_start3A_75] : memref<6x64x256xf32, #tpu.memory_space<vmem>> -> memref<1x64x256xf32, #tpu.memory_space<vmem>>
    %dma_start3A_77 = tpu.memref_squeeze %dma_start3A_76 : memref<1x64x256xf32, #tpu.memory_space<vmem>> -> memref<64x256xf32, #tpu.memory_space<vmem>>
    %dma_start3A_78 = arith.constant 0 : i32
    %dma_start3A_79 = tpu.memref_slice %arg4[%add3A_72, %dma_start3A_78] : memref<16384x256xf32, #tpu.memory_space<hbm>> -> memref<64x256xf32, #tpu.memory_space<hbm>>
    %dma_start3A_80 = arith.constant 0 : i32
    %dma_start3A_81 = tpu.memref_slice %arg4[%add3A_72, %dma_start3A_80] : memref<16384x256xf32, #tpu.memory_space<hbm>> -> memref<64x256xf32, #tpu.memory_space<hbm>>
    %dma_start3A_82 = arith.constant 0 : i32
    %dma_start3A_83 = arith.constant 0 : i32
    %dma_start3A_84 = tpu.memref_slice %arg6[%dma_start3A_73, %dma_start3A_82, %dma_start3A_83] : memref<6x64x256xf32, #tpu.memory_space<vmem>> -> memref<1x64x256xf32, #tpu.memory_space<vmem>>
    %dma_start3A_85 = tpu.memref_squeeze %dma_start3A_84 : memref<1x64x256xf32, #tpu.memory_space<vmem>> -> memref<64x256xf32, #tpu.memory_space<vmem>>
    tpu.enqueue_dma source(%dma_start3A_85 : memref<64x256xf32, #tpu.memory_space<vmem>>) target(%dma_start3A_81 : memref<64x256xf32, #tpu.memory_space<hbm>>) target_semaphore(%arg13 : memref<!tpu.dma_semaphore, #tpu.memory_space<semaphore_mem>>)
    %dma_wait3A_86 = arith.constant 0 : i32
    %dma_wait3A_87 = arith.constant 0 : i32
    %dma_wait3A_88 = arith.constant 0 : i32
    %dma_wait3A_89 = tpu.memref_slice %arg6[%dma_wait3A_86, %dma_wait3A_87, %dma_wait3A_88] : memref<6x64x256xf32, #tpu.memory_space<vmem>> -> memref<1x64x256xf32, #tpu.memory_space<vmem>>
    %dma_wait3A_90 = tpu.memref_squeeze %dma_wait3A_89 : memref<1x64x256xf32, #tpu.memory_space<vmem>> -> memref<64x256xf32, #tpu.memory_space<vmem>>
    %dma_wait3A_91 = arith.constant 0 : i32
    %dma_wait3A_92 = tpu.memref_slice %arg4[%add3A_72, %dma_wait3A_91] : memref<16384x256xf32, #tpu.memory_space<hbm>> -> memref<64x256xf32, #tpu.memory_space<hbm>>
    %dma_wait3A_93 = arith.constant 0 : i32
    %dma_wait3A_94 = tpu.memref_slice %arg4[%add3A_72, %dma_wait3A_93] : memref<16384x256xf32, #tpu.memory_space<hbm>> -> memref<64x256xf32, #tpu.memory_space<hbm>>
    %dma_wait3A_95 = arith.constant 0 : i32
    %dma_wait3A_96 = arith.constant 0 : i32
    %dma_wait3A_97 = tpu.memref_slice %arg6[%dma_wait3A_86, %dma_wait3A_95, %dma_wait3A_96] : memref<6x64x256xf32, #tpu.memory_space<vmem>> -> memref<1x64x256xf32, #tpu.memory_space<vmem>>
    %dma_wait3A_98 = tpu.memref_squeeze %dma_wait3A_97 : memref<1x64x256xf32, #tpu.memory_space<vmem>> -> memref<64x256xf32, #tpu.memory_space<vmem>>
    tpu.wait_dma2 semaphore(%arg13 : memref<!tpu.dma_semaphore, #tpu.memory_space<semaphore_mem>>) src(%dma_wait3A_98 : memref<64x256xf32, #tpu.memory_space<vmem>>) dst(%dma_wait3A_94 : memref<64x256xf32, #tpu.memory_space<hbm>>)
    %dma_start3A_99 = arith.constant 0 : i32
    %dma_start3A_100 = arith.constant 0 : i32
    %dma_start3A_101 = arith.constant 0 : i32
    %dma_start3A_102 = tpu.memref_slice %arg6[%dma_start3A_99, %dma_start3A_100, %dma_start3A_101] : memref<6x64x256xf32, #tpu.memory_space<vmem>> -> memref<1x64x256xf32, #tpu.memory_space<vmem>>
    %dma_start3A_103 = tpu.memref_squeeze %dma_start3A_102 : memref<1x64x256xf32, #tpu.memory_space<vmem>> -> memref<64x256xf32, #tpu.memory_space<vmem>>
    %dma_start3A_104 = arith.constant 384 : i32
    %dma_start3A_105 = tpu.memref_slice %arg5[%dma_start3A_104] : memref<512xi32, #tpu.memory_space<vmem>> -> memref<64xi32, #tpu.memory_space<vmem>>
    %dma_start3A_106 = arith.constant 0 : i32
    %dma_start3A_107 = arith.constant 0 : i32
    %dma_start3A_108 = tpu.memref_slice %arg3[%dma_start3A_106, %dma_start3A_107] : memref<8192x256xf32, #tpu.memory_space<hbm>> -> memref<8192x256xf32, #tpu.memory_space<hbm>>
    tpu.enqueue_indirect_dma source(%dma_start3A_108 : memref<8192x256xf32, #tpu.memory_space<hbm>>) target(%dma_start3A_103 : memref<64x256xf32, #tpu.memory_space<vmem>>) offsets(%dma_start3A_105 : memref<64xi32, #tpu.memory_space<vmem>>) semaphore(%arg7 : memref<!tpu.dma_semaphore, #tpu.memory_space<semaphore_mem>>)
    %dma_wait3A_109 = arith.constant 1 : i32
    %dma_wait3A_110 = arith.constant 0 : i32
    %dma_wait3A_111 = arith.constant 0 : i32
    %dma_wait3A_112 = tpu.memref_slice %arg6[%dma_wait3A_109, %dma_wait3A_110, %dma_wait3A_111] : memref<6x64x256xf32, #tpu.memory_space<vmem>> -> memref<1x64x256xf32, #tpu.memory_space<vmem>>
    %dma_wait3A_113 = tpu.memref_squeeze %dma_wait3A_112 : memref<1x64x256xf32, #tpu.memory_space<vmem>> -> memref<64x256xf32, #tpu.memory_space<vmem>>
    %dma_wait3A_114 = arith.constant 64 : i32
    %dma_wait3A_115 = tpu.memref_slice %arg5[%dma_wait3A_114] : memref<512xi32, #tpu.memory_space<vmem>> -> memref<64xi32, #tpu.memory_space<vmem>>
    %dma_wait3A_116 = arith.constant 0 : i32
    %dma_wait3A_117 = arith.constant 0 : i32
    %dma_wait3A_118 = tpu.memref_slice %arg3[%dma_wait3A_116, %dma_wait3A_117] : memref<8192x256xf32, #tpu.memory_space<hbm>> -> memref<8192x256xf32, #tpu.memory_space<hbm>>
    tpu.wait_indirect_dma semaphore(%arg8 : memref<!tpu.dma_semaphore, #tpu.memory_space<semaphore_mem>>) src(%dma_wait3A_118 : memref<8192x256xf32, #tpu.memory_space<hbm>>) dst(%dma_wait3A_113 : memref<64x256xf32, #tpu.memory_space<vmem>>)
    %add3A_119 = arith.constant 64 : i32
    %add3A_120 = arith.addi %mul3A_2, %add3A_119 : i32
    %dma_start3A_121 = arith.constant 1 : i32
    %dma_start3A_122 = arith.constant 0 : i32
    %dma_start3A_123 = arith.constant 0 : i32
    %dma_start3A_124 = tpu.memref_slice %arg6[%dma_start3A_121, %dma_start3A_122, %dma_start3A_123] : memref<6x64x256xf32, #tpu.memory_space<vmem>> -> memref<1x64x256xf32, #tpu.memory_space<vmem>>
    %dma_start3A_125 = tpu.memref_squeeze %dma_start3A_124 : memref<1x64x256xf32, #tpu.memory_space<vmem>> -> memref<64x256xf32, #tpu.memory_space<vmem>>
    %dma_start3A_126 = arith.constant 0 : i32
    %dma_start3A_127 = tpu.memref_slice %arg4[%add3A_120, %dma_start3A_126] : memref<16384x256xf32, #tpu.memory_space<hbm>> -> memref<64x256xf32, #tpu.memory_space<hbm>>
    %dma_start3A_128 = arith.constant 0 : i32
    %dma_start3A_129 = tpu.memref_slice %arg4[%add3A_120, %dma_start3A_128] : memref<16384x256xf32, #tpu.memory_space<hbm>> -> memref<64x256xf32, #tpu.memory_space<hbm>>
    %dma_start3A_130 = arith.constant 0 : i32
    %dma_start3A_131 = arith.constant 0 : i32
    %dma_start3A_132 = tpu.memref_slice %arg6[%dma_start3A_121, %dma_start3A_130, %dma_start3A_131] : memref<6x64x256xf32, #tpu.memory_space<vmem>> -> memref<1x64x256xf32, #tpu.memory_space<vmem>>
    %dma_start3A_133 = tpu.memref_squeeze %dma_start3A_132 : memref<1x64x256xf32, #tpu.memory_space<vmem>> -> memref<64x256xf32, #tpu.memory_space<vmem>>
    tpu.enqueue_dma source(%dma_start3A_133 : memref<64x256xf32, #tpu.memory_space<vmem>>) target(%dma_start3A_129 : memref<64x256xf32, #tpu.memory_space<hbm>>) target_semaphore(%arg14 : memref<!tpu.dma_semaphore, #tpu.memory_space<semaphore_mem>>)
    %dma_wait3A_134 = arith.constant 1 : i32
    %dma_wait3A_135 = arith.constant 0 : i32
    %dma_wait3A_136 = arith.constant 0 : i32
    %dma_wait3A_137 = tpu.memref_slice %arg6[%dma_wait3A_134, %dma_wait3A_135, %dma_wait3A_136] : memref<6x64x256xf32, #tpu.memory_space<vmem>> -> memref<1x64x256xf32, #tpu.memory_space<vmem>>
    %dma_wait3A_138 = tpu.memref_squeeze %dma_wait3A_137 : memref<1x64x256xf32, #tpu.memory_space<vmem>> -> memref<64x256xf32, #tpu.memory_space<vmem>>
    %dma_wait3A_139 = arith.constant 0 : i32
    %dma_wait3A_140 = tpu.memref_slice %arg4[%add3A_120, %dma_wait3A_139] : memref<16384x256xf32, #tpu.memory_space<hbm>> -> memref<64x256xf32, #tpu.memory_space<hbm>>
    %dma_wait3A_141 = arith.constant 0 : i32
    %dma_wait3A_142 = tpu.memref_slice %arg4[%add3A_120, %dma_wait3A_141] : memref<16384x256xf32, #tpu.memory_space<hbm>> -> memref<64x256xf32, #tpu.memory_space<hbm>>
    %dma_wait3A_143 = arith.constant 0 : i32
    %dma_wait3A_144 = arith.constant 0 : i32
    %dma_wait3A_145 = tpu.memref_slice %arg6[%dma_wait3A_134, %dma_wait3A_143, %dma_wait3A_144] : memref<6x64x256xf32, #tpu.memory_space<vmem>> -> memref<1x64x256xf32, #tpu.memory_space<vmem>>
    %dma_wait3A_146 = tpu.memref_squeeze %dma_wait3A_145 : memref<1x64x256xf32, #tpu.memory_space<vmem>> -> memref<64x256xf32, #tpu.memory_space<vmem>>
    tpu.wait_dma2 semaphore(%arg14 : memref<!tpu.dma_semaphore, #tpu.memory_space<semaphore_mem>>) src(%dma_wait3A_146 : memref<64x256xf32, #tpu.memory_space<vmem>>) dst(%dma_wait3A_142 : memref<64x256xf32, #tpu.memory_space<hbm>>)
    %dma_start3A_147 = arith.constant 1 : i32
    %dma_start3A_148 = arith.constant 0 : i32
    %dma_start3A_149 = arith.constant 0 : i32
    %dma_start3A_150 = tpu.memref_slice %arg6[%dma_start3A_147, %dma_start3A_148, %dma_start3A_149] : memref<6x64x256xf32, #tpu.memory_space<vmem>> -> memref<1x64x256xf32, #tpu.memory_space<vmem>>
    %dma_start3A_151 = tpu.memref_squeeze %dma_start3A_150 : memref<1x64x256xf32, #tpu.memory_space<vmem>> -> memref<64x256xf32, #tpu.memory_space<vmem>>
    %dma_start3A_152 = arith.constant 448 : i32
    %dma_start3A_153 = tpu.memref_slice %arg5[%dma_start3A_152] : memref<512xi32, #tpu.memory_space<vmem>> -> memref<64xi32, #tpu.memory_space<vmem>>
    %dma_start3A_154 = arith.constant 0 : i32
    %dma_start3A_155 = arith.constant 0 : i32
    %dma_start3A_156 = tpu.memref_slice %arg3[%dma_start3A_154, %dma_start3A_155] : memref<8192x256xf32, #tpu.memory_space<hbm>> -> memref<8192x256xf32, #tpu.memory_space<hbm>>
    tpu.enqueue_indirect_dma source(%dma_start3A_156 : memref<8192x256xf32, #tpu.memory_space<hbm>>) target(%dma_start3A_151 : memref<64x256xf32, #tpu.memory_space<vmem>>) offsets(%dma_start3A_153 : memref<64xi32, #tpu.memory_space<vmem>>) semaphore(%arg8 : memref<!tpu.dma_semaphore, #tpu.memory_space<semaphore_mem>>)
    %dma_wait3A_157 = arith.constant 2 : i32
    %dma_wait3A_158 = arith.constant 0 : i32
    %dma_wait3A_159 = arith.constant 0 : i32
    %dma_wait3A_160 = tpu.memref_slice %arg6[%dma_wait3A_157, %dma_wait3A_158, %dma_wait3A_159] : memref<6x64x256xf32, #tpu.memory_space<vmem>> -> memref<1x64x256xf32, #tpu.memory_space<vmem>>
    %dma_wait3A_161 = tpu.memref_squeeze %dma_wait3A_160 : memref<1x64x256xf32, #tpu.memory_space<vmem>> -> memref<64x256xf32, #tpu.memory_space<vmem>>
    %dma_wait3A_162 = arith.constant 128 : i32
    %dma_wait3A_163 = tpu.memref_slice %arg5[%dma_wait3A_162] : memref<512xi32, #tpu.memory_space<vmem>> -> memref<64xi32, #tpu.memory_space<vmem>>
    %dma_wait3A_164 = arith.constant 0 : i32
    %dma_wait3A_165 = arith.constant 0 : i32
    %dma_wait3A_166 = tpu.memref_slice %arg3[%dma_wait3A_164, %dma_wait3A_165] : memref<8192x256xf32, #tpu.memory_space<hbm>> -> memref<8192x256xf32, #tpu.memory_space<hbm>>
    tpu.wait_indirect_dma semaphore(%arg9 : memref<!tpu.dma_semaphore, #tpu.memory_space<semaphore_mem>>) src(%dma_wait3A_166 : memref<8192x256xf32, #tpu.memory_space<hbm>>) dst(%dma_wait3A_161 : memref<64x256xf32, #tpu.memory_space<vmem>>)
    %add3A_167 = arith.constant 128 : i32
    %add3A_168 = arith.addi %mul3A_2, %add3A_167 : i32
    %dma_start3A_169 = arith.constant 2 : i32
    %dma_start3A_170 = arith.constant 0 : i32
    %dma_start3A_171 = arith.constant 0 : i32
    %dma_start3A_172 = tpu.memref_slice %arg6[%dma_start3A_169, %dma_start3A_170, %dma_start3A_171] : memref<6x64x256xf32, #tpu.memory_space<vmem>> -> memref<1x64x256xf32, #tpu.memory_space<vmem>>
    %dma_start3A_173 = tpu.memref_squeeze %dma_start3A_172 : memref<1x64x256xf32, #tpu.memory_space<vmem>> -> memref<64x256xf32, #tpu.memory_space<vmem>>
    %dma_start3A_174 = arith.constant 0 : i32
    %dma_start3A_175 = tpu.memref_slice %arg4[%add3A_168, %dma_start3A_174] : memref<16384x256xf32, #tpu.memory_space<hbm>> -> memref<64x256xf32, #tpu.memory_space<hbm>>
    %dma_start3A_176 = arith.constant 0 : i32
    %dma_start3A_177 = tpu.memref_slice %arg4[%add3A_168, %dma_start3A_176] : memref<16384x256xf32, #tpu.memory_space<hbm>> -> memref<64x256xf32, #tpu.memory_space<hbm>>
    %dma_start3A_178 = arith.constant 0 : i32
    %dma_start3A_179 = arith.constant 0 : i32
    %dma_start3A_180 = tpu.memref_slice %arg6[%dma_start3A_169, %dma_start3A_178, %dma_start3A_179] : memref<6x64x256xf32, #tpu.memory_space<vmem>> -> memref<1x64x256xf32, #tpu.memory_space<vmem>>
    %dma_start3A_181 = tpu.memref_squeeze %dma_start3A_180 : memref<1x64x256xf32, #tpu.memory_space<vmem>> -> memref<64x256xf32, #tpu.memory_space<vmem>>
    tpu.enqueue_dma source(%dma_start3A_181 : memref<64x256xf32, #tpu.memory_space<vmem>>) target(%dma_start3A_177 : memref<64x256xf32, #tpu.memory_space<hbm>>) target_semaphore(%arg15 : memref<!tpu.dma_semaphore, #tpu.memory_space<semaphore_mem>>)
    %dma_wait3A_182 = arith.constant 3 : i32
    %dma_wait3A_183 = arith.constant 0 : i32
    %dma_wait3A_184 = arith.constant 0 : i32
    %dma_wait3A_185 = tpu.memref_slice %arg6[%dma_wait3A_182, %dma_wait3A_183, %dma_wait3A_184] : memref<6x64x256xf32, #tpu.memory_space<vmem>> -> memref<1x64x256xf32, #tpu.memory_space<vmem>>
    %dma_wait3A_186 = tpu.memref_squeeze %dma_wait3A_185 : memref<1x64x256xf32, #tpu.memory_space<vmem>> -> memref<64x256xf32, #tpu.memory_space<vmem>>
    %dma_wait3A_187 = arith.constant 192 : i32
    %dma_wait3A_188 = tpu.memref_slice %arg5[%dma_wait3A_187] : memref<512xi32, #tpu.memory_space<vmem>> -> memref<64xi32, #tpu.memory_space<vmem>>
    %dma_wait3A_189 = arith.constant 0 : i32
    %dma_wait3A_190 = arith.constant 0 : i32
    %dma_wait3A_191 = tpu.memref_slice %arg3[%dma_wait3A_189, %dma_wait3A_190] : memref<8192x256xf32, #tpu.memory_space<hbm>> -> memref<8192x256xf32, #tpu.memory_space<hbm>>
    tpu.wait_indirect_dma semaphore(%arg10 : memref<!tpu.dma_semaphore, #tpu.memory_space<semaphore_mem>>) src(%dma_wait3A_191 : memref<8192x256xf32, #tpu.memory_space<hbm>>) dst(%dma_wait3A_186 : memref<64x256xf32, #tpu.memory_space<vmem>>)
    %add3A_192 = arith.constant 192 : i32
    %add3A_193 = arith.addi %mul3A_2, %add3A_192 : i32
    %dma_start3A_194 = arith.constant 3 : i32
    %dma_start3A_195 = arith.constant 0 : i32
    %dma_start3A_196 = arith.constant 0 : i32
    %dma_start3A_197 = tpu.memref_slice %arg6[%dma_start3A_194, %dma_start3A_195, %dma_start3A_196] : memref<6x64x256xf32, #tpu.memory_space<vmem>> -> memref<1x64x256xf32, #tpu.memory_space<vmem>>
    %dma_start3A_198 = tpu.memref_squeeze %dma_start3A_197 : memref<1x64x256xf32, #tpu.memory_space<vmem>> -> memref<64x256xf32, #tpu.memory_space<vmem>>
    %dma_start3A_199 = arith.constant 0 : i32
    %dma_start3A_200 = tpu.memref_slice %arg4[%add3A_193, %dma_start3A_199] : memref<16384x256xf32, #tpu.memory_space<hbm>> -> memref<64x256xf32, #tpu.memory_space<hbm>>
    %dma_start3A_201 = arith.constant 0 : i32
    %dma_start3A_202 = tpu.memref_slice %arg4[%add3A_193, %dma_start3A_201] : memref<16384x256xf32, #tpu.memory_space<hbm>> -> memref<64x256xf32, #tpu.memory_space<hbm>>
    %dma_start3A_203 = arith.constant 0 : i32
    %dma_start3A_204 = arith.constant 0 : i32
    %dma_start3A_205 = tpu.memref_slice %arg6[%dma_start3A_194, %dma_start3A_203, %dma_start3A_204] : memref<6x64x256xf32, #tpu.memory_space<vmem>> -> memref<1x64x256xf32, #tpu.memory_space<vmem>>
    %dma_start3A_206 = tpu.memref_squeeze %dma_start3A_205 : memref<1x64x256xf32, #tpu.memory_space<vmem>> -> memref<64x256xf32, #tpu.memory_space<vmem>>
    tpu.enqueue_dma source(%dma_start3A_206 : memref<64x256xf32, #tpu.memory_space<vmem>>) target(%dma_start3A_202 : memref<64x256xf32, #tpu.memory_space<hbm>>) target_semaphore(%arg16 : memref<!tpu.dma_semaphore, #tpu.memory_space<semaphore_mem>>)
    %dma_wait3A_207 = arith.constant 4 : i32
    %dma_wait3A_208 = arith.constant 0 : i32
    %dma_wait3A_209 = arith.constant 0 : i32
    %dma_wait3A_210 = tpu.memref_slice %arg6[%dma_wait3A_207, %dma_wait3A_208, %dma_wait3A_209] : memref<6x64x256xf32, #tpu.memory_space<vmem>> -> memref<1x64x256xf32, #tpu.memory_space<vmem>>
    %dma_wait3A_211 = tpu.memref_squeeze %dma_wait3A_210 : memref<1x64x256xf32, #tpu.memory_space<vmem>> -> memref<64x256xf32, #tpu.memory_space<vmem>>
    %dma_wait3A_212 = arith.constant 256 : i32
    %dma_wait3A_213 = tpu.memref_slice %arg5[%dma_wait3A_212] : memref<512xi32, #tpu.memory_space<vmem>> -> memref<64xi32, #tpu.memory_space<vmem>>
    %dma_wait3A_214 = arith.constant 0 : i32
    %dma_wait3A_215 = arith.constant 0 : i32
    %dma_wait3A_216 = tpu.memref_slice %arg3[%dma_wait3A_214, %dma_wait3A_215] : memref<8192x256xf32, #tpu.memory_space<hbm>> -> memref<8192x256xf32, #tpu.memory_space<hbm>>
    tpu.wait_indirect_dma semaphore(%arg11 : memref<!tpu.dma_semaphore, #tpu.memory_space<semaphore_mem>>) src(%dma_wait3A_216 : memref<8192x256xf32, #tpu.memory_space<hbm>>) dst(%dma_wait3A_211 : memref<64x256xf32, #tpu.memory_space<vmem>>)
    %add3A_217 = arith.constant 256 : i32
    %add3A_218 = arith.addi %mul3A_2, %add3A_217 : i32
    %dma_start3A_219 = arith.constant 4 : i32
    %dma_start3A_220 = arith.constant 0 : i32
    %dma_start3A_221 = arith.constant 0 : i32
    %dma_start3A_222 = tpu.memref_slice %arg6[%dma_start3A_219, %dma_start3A_220, %dma_start3A_221] : memref<6x64x256xf32, #tpu.memory_space<vmem>> -> memref<1x64x256xf32, #tpu.memory_space<vmem>>
    %dma_start3A_223 = tpu.memref_squeeze %dma_start3A_222 : memref<1x64x256xf32, #tpu.memory_space<vmem>> -> memref<64x256xf32, #tpu.memory_space<vmem>>
    %dma_start3A_224 = arith.constant 0 : i32
    %dma_start3A_225 = tpu.memref_slice %arg4[%add3A_218, %dma_start3A_224] : memref<16384x256xf32, #tpu.memory_space<hbm>> -> memref<64x256xf32, #tpu.memory_space<hbm>>
    %dma_start3A_226 = arith.constant 0 : i32
    %dma_start3A_227 = tpu.memref_slice %arg4[%add3A_218, %dma_start3A_226] : memref<16384x256xf32, #tpu.memory_space<hbm>> -> memref<64x256xf32, #tpu.memory_space<hbm>>
    %dma_start3A_228 = arith.constant 0 : i32
    %dma_start3A_229 = arith.constant 0 : i32
    %dma_start3A_230 = tpu.memref_slice %arg6[%dma_start3A_219, %dma_start3A_228, %dma_start3A_229] : memref<6x64x256xf32, #tpu.memory_space<vmem>> -> memref<1x64x256xf32, #tpu.memory_space<vmem>>
    %dma_start3A_231 = tpu.memref_squeeze %dma_start3A_230 : memref<1x64x256xf32, #tpu.memory_space<vmem>> -> memref<64x256xf32, #tpu.memory_space<vmem>>
    tpu.enqueue_dma source(%dma_start3A_231 : memref<64x256xf32, #tpu.memory_space<vmem>>) target(%dma_start3A_227 : memref<64x256xf32, #tpu.memory_space<hbm>>) target_semaphore(%arg17 : memref<!tpu.dma_semaphore, #tpu.memory_space<semaphore_mem>>)
    %dma_wait3A_232 = arith.constant 5 : i32
    %dma_wait3A_233 = arith.constant 0 : i32
    %dma_wait3A_234 = arith.constant 0 : i32
    %dma_wait3A_235 = tpu.memref_slice %arg6[%dma_wait3A_232, %dma_wait3A_233, %dma_wait3A_234] : memref<6x64x256xf32, #tpu.memory_space<vmem>> -> memref<1x64x256xf32, #tpu.memory_space<vmem>>
    %dma_wait3A_236 = tpu.memref_squeeze %dma_wait3A_235 : memref<1x64x256xf32, #tpu.memory_space<vmem>> -> memref<64x256xf32, #tpu.memory_space<vmem>>
    %dma_wait3A_237 = arith.constant 320 : i32
    %dma_wait3A_238 = tpu.memref_slice %arg5[%dma_wait3A_237] : memref<512xi32, #tpu.memory_space<vmem>> -> memref<64xi32, #tpu.memory_space<vmem>>
    %dma_wait3A_239 = arith.constant 0 : i32
    %dma_wait3A_240 = arith.constant 0 : i32
    %dma_wait3A_241 = tpu.memref_slice %arg3[%dma_wait3A_239, %dma_wait3A_240] : memref<8192x256xf32, #tpu.memory_space<hbm>> -> memref<8192x256xf32, #tpu.memory_space<hbm>>
    tpu.wait_indirect_dma semaphore(%arg12 : memref<!tpu.dma_semaphore, #tpu.memory_space<semaphore_mem>>) src(%dma_wait3A_241 : memref<8192x256xf32, #tpu.memory_space<hbm>>) dst(%dma_wait3A_236 : memref<64x256xf32, #tpu.memory_space<vmem>>)
    %add3A_242 = arith.constant 320 : i32
    %add3A_243 = arith.addi %mul3A_2, %add3A_242 : i32
    %dma_start3A_244 = arith.constant 5 : i32
    %dma_start3A_245 = arith.constant 0 : i32
    %dma_start3A_246 = arith.constant 0 : i32
    %dma_start3A_247 = tpu.memref_slice %arg6[%dma_start3A_244, %dma_start3A_245, %dma_start3A_246] : memref<6x64x256xf32, #tpu.memory_space<vmem>> -> memref<1x64x256xf32, #tpu.memory_space<vmem>>
    %dma_start3A_248 = tpu.memref_squeeze %dma_start3A_247 : memref<1x64x256xf32, #tpu.memory_space<vmem>> -> memref<64x256xf32, #tpu.memory_space<vmem>>
    %dma_start3A_249 = arith.constant 0 : i32
    %dma_start3A_250 = tpu.memref_slice %arg4[%add3A_243, %dma_start3A_249] : memref<16384x256xf32, #tpu.memory_space<hbm>> -> memref<64x256xf32, #tpu.memory_space<hbm>>
    %dma_start3A_251 = arith.constant 0 : i32
    %dma_start3A_252 = tpu.memref_slice %arg4[%add3A_243, %dma_start3A_251] : memref<16384x256xf32, #tpu.memory_space<hbm>> -> memref<64x256xf32, #tpu.memory_space<hbm>>
    %dma_start3A_253 = arith.constant 0 : i32
    %dma_start3A_254 = arith.constant 0 : i32
    %dma_start3A_255 = tpu.memref_slice %arg6[%dma_start3A_244, %dma_start3A_253, %dma_start3A_254] : memref<6x64x256xf32, #tpu.memory_space<vmem>> -> memref<1x64x256xf32, #tpu.memory_space<vmem>>
    %dma_start3A_256 = tpu.memref_squeeze %dma_start3A_255 : memref<1x64x256xf32, #tpu.memory_space<vmem>> -> memref<64x256xf32, #tpu.memory_space<vmem>>
    tpu.enqueue_dma source(%dma_start3A_256 : memref<64x256xf32, #tpu.memory_space<vmem>>) target(%dma_start3A_252 : memref<64x256xf32, #tpu.memory_space<hbm>>) target_semaphore(%arg18 : memref<!tpu.dma_semaphore, #tpu.memory_space<semaphore_mem>>)
    %dma_wait3A_257 = arith.constant 0 : i32
    %dma_wait3A_258 = arith.constant 0 : i32
    %dma_wait3A_259 = arith.constant 0 : i32
    %dma_wait3A_260 = tpu.memref_slice %arg6[%dma_wait3A_257, %dma_wait3A_258, %dma_wait3A_259] : memref<6x64x256xf32, #tpu.memory_space<vmem>> -> memref<1x64x256xf32, #tpu.memory_space<vmem>>
    %dma_wait3A_261 = tpu.memref_squeeze %dma_wait3A_260 : memref<1x64x256xf32, #tpu.memory_space<vmem>> -> memref<64x256xf32, #tpu.memory_space<vmem>>
    %dma_wait3A_262 = arith.constant 384 : i32
    %dma_wait3A_263 = tpu.memref_slice %arg5[%dma_wait3A_262] : memref<512xi32, #tpu.memory_space<vmem>> -> memref<64xi32, #tpu.memory_space<vmem>>
    %dma_wait3A_264 = arith.constant 0 : i32
    %dma_wait3A_265 = arith.constant 0 : i32
    %dma_wait3A_266 = tpu.memref_slice %arg3[%dma_wait3A_264, %dma_wait3A_265] : memref<8192x256xf32, #tpu.memory_space<hbm>> -> memref<8192x256xf32, #tpu.memory_space<hbm>>
    tpu.wait_indirect_dma semaphore(%arg7 : memref<!tpu.dma_semaphore, #tpu.memory_space<semaphore_mem>>) src(%dma_wait3A_266 : memref<8192x256xf32, #tpu.memory_space<hbm>>) dst(%dma_wait3A_261 : memref<64x256xf32, #tpu.memory_space<vmem>>)
    %add3A_267 = arith.constant 384 : i32
    %add3A_268 = arith.addi %mul3A_2, %add3A_267 : i32
    %dma_start3A_269 = arith.constant 0 : i32
    %dma_start3A_270 = arith.constant 0 : i32
    %dma_start3A_271 = arith.constant 0 : i32
    %dma_start3A_272 = tpu.memref_slice %arg6[%dma_start3A_269, %dma_start3A_270, %dma_start3A_271] : memref<6x64x256xf32, #tpu.memory_space<vmem>> -> memref<1x64x256xf32, #tpu.memory_space<vmem>>
    %dma_start3A_273 = tpu.memref_squeeze %dma_start3A_272 : memref<1x64x256xf32, #tpu.memory_space<vmem>> -> memref<64x256xf32, #tpu.memory_space<vmem>>
    %dma_start3A_274 = arith.constant 0 : i32
    %dma_start3A_275 = tpu.memref_slice %arg4[%add3A_268, %dma_start3A_274] : memref<16384x256xf32, #tpu.memory_space<hbm>> -> memref<64x256xf32, #tpu.memory_space<hbm>>
    %dma_start3A_276 = arith.constant 0 : i32
    %dma_start3A_277 = tpu.memref_slice %arg4[%add3A_268, %dma_start3A_276] : memref<16384x256xf32, #tpu.memory_space<hbm>> -> memref<64x256xf32, #tpu.memory_space<hbm>>
    %dma_start3A_278 = arith.constant 0 : i32
    %dma_start3A_279 = arith.constant 0 : i32
    %dma_start3A_280 = tpu.memref_slice %arg6[%dma_start3A_269, %dma_start3A_278, %dma_start3A_279] : memref<6x64x256xf32, #tpu.memory_space<vmem>> -> memref<1x64x256xf32, #tpu.memory_space<vmem>>
    %dma_start3A_281 = tpu.memref_squeeze %dma_start3A_280 : memref<1x64x256xf32, #tpu.memory_space<vmem>> -> memref<64x256xf32, #tpu.memory_space<vmem>>
    tpu.enqueue_dma source(%dma_start3A_281 : memref<64x256xf32, #tpu.memory_space<vmem>>) target(%dma_start3A_277 : memref<64x256xf32, #tpu.memory_space<hbm>>) target_semaphore(%arg13 : memref<!tpu.dma_semaphore, #tpu.memory_space<semaphore_mem>>)
    %dma_wait3A_282 = arith.constant 1 : i32
    %dma_wait3A_283 = arith.constant 0 : i32
    %dma_wait3A_284 = arith.constant 0 : i32
    %dma_wait3A_285 = tpu.memref_slice %arg6[%dma_wait3A_282, %dma_wait3A_283, %dma_wait3A_284] : memref<6x64x256xf32, #tpu.memory_space<vmem>> -> memref<1x64x256xf32, #tpu.memory_space<vmem>>
    %dma_wait3A_286 = tpu.memref_squeeze %dma_wait3A_285 : memref<1x64x256xf32, #tpu.memory_space<vmem>> -> memref<64x256xf32, #tpu.memory_space<vmem>>
    %dma_wait3A_287 = arith.constant 448 : i32
    %dma_wait3A_288 = tpu.memref_slice %arg5[%dma_wait3A_287] : memref<512xi32, #tpu.memory_space<vmem>> -> memref<64xi32, #tpu.memory_space<vmem>>
    %dma_wait3A_289 = arith.constant 0 : i32
    %dma_wait3A_290 = arith.constant 0 : i32
    %dma_wait3A_291 = tpu.memref_slice %arg3[%dma_wait3A_289, %dma_wait3A_290] : memref<8192x256xf32, #tpu.memory_space<hbm>> -> memref<8192x256xf32, #tpu.memory_space<hbm>>
    tpu.wait_indirect_dma semaphore(%arg8 : memref<!tpu.dma_semaphore, #tpu.memory_space<semaphore_mem>>) src(%dma_wait3A_291 : memref<8192x256xf32, #tpu.memory_space<hbm>>) dst(%dma_wait3A_286 : memref<64x256xf32, #tpu.memory_space<vmem>>)
    %add3A_292 = arith.constant 448 : i32
    %add3A_293 = arith.addi %mul3A_2, %add3A_292 : i32
    %dma_start3A_294 = arith.constant 1 : i32
    %dma_start3A_295 = arith.constant 0 : i32
    %dma_start3A_296 = arith.constant 0 : i32
    %dma_start3A_297 = tpu.memref_slice %arg6[%dma_start3A_294, %dma_start3A_295, %dma_start3A_296] : memref<6x64x256xf32, #tpu.memory_space<vmem>> -> memref<1x64x256xf32, #tpu.memory_space<vmem>>
    %dma_start3A_298 = tpu.memref_squeeze %dma_start3A_297 : memref<1x64x256xf32, #tpu.memory_space<vmem>> -> memref<64x256xf32, #tpu.memory_space<vmem>>
    %dma_start3A_299 = arith.constant 0 : i32
    %dma_start3A_300 = tpu.memref_slice %arg4[%add3A_293, %dma_start3A_299] : memref<16384x256xf32, #tpu.memory_space<hbm>> -> memref<64x256xf32, #tpu.memory_space<hbm>>
    %dma_start3A_301 = arith.constant 0 : i32
    %dma_start3A_302 = tpu.memref_slice %arg4[%add3A_293, %dma_start3A_301] : memref<16384x256xf32, #tpu.memory_space<hbm>> -> memref<64x256xf32, #tpu.memory_space<hbm>>
    %dma_start3A_303 = arith.constant 0 : i32
    %dma_start3A_304 = arith.constant 0 : i32
    %dma_start3A_305 = tpu.memref_slice %arg6[%dma_start3A_294, %dma_start3A_303, %dma_start3A_304] : memref<6x64x256xf32, #tpu.memory_space<vmem>> -> memref<1x64x256xf32, #tpu.memory_space<vmem>>
    %dma_start3A_306 = tpu.memref_squeeze %dma_start3A_305 : memref<1x64x256xf32, #tpu.memory_space<vmem>> -> memref<64x256xf32, #tpu.memory_space<vmem>>
    tpu.enqueue_dma source(%dma_start3A_306 : memref<64x256xf32, #tpu.memory_space<vmem>>) target(%dma_start3A_302 : memref<64x256xf32, #tpu.memory_space<hbm>>) target_semaphore(%arg14 : memref<!tpu.dma_semaphore, #tpu.memory_space<semaphore_mem>>)
    %dma_wait3A_307 = arith.constant 0 : i32
    %dma_wait3A_308 = arith.constant 0 : i32
    %dma_wait3A_309 = arith.constant 0 : i32
    %dma_wait3A_310 = tpu.memref_slice %arg6[%dma_wait3A_307, %dma_wait3A_308, %dma_wait3A_309] : memref<6x64x256xf32, #tpu.memory_space<vmem>> -> memref<1x64x256xf32, #tpu.memory_space<vmem>>
    %dma_wait3A_311 = tpu.memref_squeeze %dma_wait3A_310 : memref<1x64x256xf32, #tpu.memory_space<vmem>> -> memref<64x256xf32, #tpu.memory_space<vmem>>
    %dma_wait3A_312 = arith.constant 0 : i32
    %dma_wait3A_313 = tpu.memref_slice %arg4[%add3A_268, %dma_wait3A_312] : memref<16384x256xf32, #tpu.memory_space<hbm>> -> memref<64x256xf32, #tpu.memory_space<hbm>>
    %dma_wait3A_314 = arith.constant 0 : i32
    %dma_wait3A_315 = tpu.memref_slice %arg4[%add3A_268, %dma_wait3A_314] : memref<16384x256xf32, #tpu.memory_space<hbm>> -> memref<64x256xf32, #tpu.memory_space<hbm>>
    %dma_wait3A_316 = arith.constant 0 : i32
    %dma_wait3A_317 = arith.constant 0 : i32
    %dma_wait3A_318 = tpu.memref_slice %arg6[%dma_wait3A_307, %dma_wait3A_316, %dma_wait3A_317] : memref<6x64x256xf32, #tpu.memory_space<vmem>> -> memref<1x64x256xf32, #tpu.memory_space<vmem>>
    %dma_wait3A_319 = tpu.memref_squeeze %dma_wait3A_318 : memref<1x64x256xf32, #tpu.memory_space<vmem>> -> memref<64x256xf32, #tpu.memory_space<vmem>>
    tpu.wait_dma2 semaphore(%arg13 : memref<!tpu.dma_semaphore, #tpu.memory_space<semaphore_mem>>) src(%dma_wait3A_319 : memref<64x256xf32, #tpu.memory_space<vmem>>) dst(%dma_wait3A_315 : memref<64x256xf32, #tpu.memory_space<hbm>>)
    %dma_wait3A_320 = arith.constant 1 : i32
    %dma_wait3A_321 = arith.constant 0 : i32
    %dma_wait3A_322 = arith.constant 0 : i32
    %dma_wait3A_323 = tpu.memref_slice %arg6[%dma_wait3A_320, %dma_wait3A_321, %dma_wait3A_322] : memref<6x64x256xf32, #tpu.memory_space<vmem>> -> memref<1x64x256xf32, #tpu.memory_space<vmem>>
    %dma_wait3A_324 = tpu.memref_squeeze %dma_wait3A_323 : memref<1x64x256xf32, #tpu.memory_space<vmem>> -> memref<64x256xf32, #tpu.memory_space<vmem>>
    %dma_wait3A_325 = arith.constant 0 : i32
    %dma_wait3A_326 = tpu.memref_slice %arg4[%add3A_293, %dma_wait3A_325] : memref<16384x256xf32, #tpu.memory_space<hbm>> -> memref<64x256xf32, #tpu.memory_space<hbm>>
    %dma_wait3A_327 = arith.constant 0 : i32
    %dma_wait3A_328 = tpu.memref_slice %arg4[%add3A_293, %dma_wait3A_327] : memref<16384x256xf32, #tpu.memory_space<hbm>> -> memref<64x256xf32, #tpu.memory_space<hbm>>
    %dma_wait3A_329 = arith.constant 0 : i32
    %dma_wait3A_330 = arith.constant 0 : i32
    %dma_wait3A_331 = tpu.memref_slice %arg6[%dma_wait3A_320, %dma_wait3A_329, %dma_wait3A_330] : memref<6x64x256xf32, #tpu.memory_space<vmem>> -> memref<1x64x256xf32, #tpu.memory_space<vmem>>
    %dma_wait3A_332 = tpu.memref_squeeze %dma_wait3A_331 : memref<1x64x256xf32, #tpu.memory_space<vmem>> -> memref<64x256xf32, #tpu.memory_space<vmem>>
    tpu.wait_dma2 semaphore(%arg14 : memref<!tpu.dma_semaphore, #tpu.memory_space<semaphore_mem>>) src(%dma_wait3A_332 : memref<64x256xf32, #tpu.memory_space<vmem>>) dst(%dma_wait3A_328 : memref<64x256xf32, #tpu.memory_space<hbm>>)
    %dma_wait3A_333 = arith.constant 2 : i32
    %dma_wait3A_334 = arith.constant 0 : i32
    %dma_wait3A_335 = arith.constant 0 : i32
    %dma_wait3A_336 = tpu.memref_slice %arg6[%dma_wait3A_333, %dma_wait3A_334, %dma_wait3A_335] : memref<6x64x256xf32, #tpu.memory_space<vmem>> -> memref<1x64x256xf32, #tpu.memory_space<vmem>>
    %dma_wait3A_337 = tpu.memref_squeeze %dma_wait3A_336 : memref<1x64x256xf32, #tpu.memory_space<vmem>> -> memref<64x256xf32, #tpu.memory_space<vmem>>
    %dma_wait3A_338 = arith.constant 0 : i32
    %dma_wait3A_339 = tpu.memref_slice %arg4[%add3A_168, %dma_wait3A_338] : memref<16384x256xf32, #tpu.memory_space<hbm>> -> memref<64x256xf32, #tpu.memory_space<hbm>>
    %dma_wait3A_340 = arith.constant 0 : i32
    %dma_wait3A_341 = tpu.memref_slice %arg4[%add3A_168, %dma_wait3A_340] : memref<16384x256xf32, #tpu.memory_space<hbm>> -> memref<64x256xf32, #tpu.memory_space<hbm>>
    %dma_wait3A_342 = arith.constant 0 : i32
    %dma_wait3A_343 = arith.constant 0 : i32
    %dma_wait3A_344 = tpu.memref_slice %arg6[%dma_wait3A_333, %dma_wait3A_342, %dma_wait3A_343] : memref<6x64x256xf32, #tpu.memory_space<vmem>> -> memref<1x64x256xf32, #tpu.memory_space<vmem>>
    %dma_wait3A_345 = tpu.memref_squeeze %dma_wait3A_344 : memref<1x64x256xf32, #tpu.memory_space<vmem>> -> memref<64x256xf32, #tpu.memory_space<vmem>>
    tpu.wait_dma2 semaphore(%arg15 : memref<!tpu.dma_semaphore, #tpu.memory_space<semaphore_mem>>) src(%dma_wait3A_345 : memref<64x256xf32, #tpu.memory_space<vmem>>) dst(%dma_wait3A_341 : memref<64x256xf32, #tpu.memory_space<hbm>>)
    %dma_wait3A_346 = arith.constant 3 : i32
    %dma_wait3A_347 = arith.constant 0 : i32
    %dma_wait3A_348 = arith.constant 0 : i32
    %dma_wait3A_349 = tpu.memref_slice %arg6[%dma_wait3A_346, %dma_wait3A_347, %dma_wait3A_348] : memref<6x64x256xf32, #tpu.memory_space<vmem>> -> memref<1x64x256xf32, #tpu.memory_space<vmem>>
    %dma_wait3A_350 = tpu.memref_squeeze %dma_wait3A_349 : memref<1x64x256xf32, #tpu.memory_space<vmem>> -> memref<64x256xf32, #tpu.memory_space<vmem>>
    %dma_wait3A_351 = arith.constant 0 : i32
    %dma_wait3A_352 = tpu.memref_slice %arg4[%add3A_193, %dma_wait3A_351] : memref<16384x256xf32, #tpu.memory_space<hbm>> -> memref<64x256xf32, #tpu.memory_space<hbm>>
    %dma_wait3A_353 = arith.constant 0 : i32
    %dma_wait3A_354 = tpu.memref_slice %arg4[%add3A_193, %dma_wait3A_353] : memref<16384x256xf32, #tpu.memory_space<hbm>> -> memref<64x256xf32, #tpu.memory_space<hbm>>
    %dma_wait3A_355 = arith.constant 0 : i32
    %dma_wait3A_356 = arith.constant 0 : i32
    %dma_wait3A_357 = tpu.memref_slice %arg6[%dma_wait3A_346, %dma_wait3A_355, %dma_wait3A_356] : memref<6x64x256xf32, #tpu.memory_space<vmem>> -> memref<1x64x256xf32, #tpu.memory_space<vmem>>
    %dma_wait3A_358 = tpu.memref_squeeze %dma_wait3A_357 : memref<1x64x256xf32, #tpu.memory_space<vmem>> -> memref<64x256xf32, #tpu.memory_space<vmem>>
    tpu.wait_dma2 semaphore(%arg16 : memref<!tpu.dma_semaphore, #tpu.memory_space<semaphore_mem>>) src(%dma_wait3A_358 : memref<64x256xf32, #tpu.memory_space<vmem>>) dst(%dma_wait3A_354 : memref<64x256xf32, #tpu.memory_space<hbm>>)
    %dma_wait3A_359 = arith.constant 4 : i32
    %dma_wait3A_360 = arith.constant 0 : i32
    %dma_wait3A_361 = arith.constant 0 : i32
    %dma_wait3A_362 = tpu.memref_slice %arg6[%dma_wait3A_359, %dma_wait3A_360, %dma_wait3A_361] : memref<6x64x256xf32, #tpu.memory_space<vmem>> -> memref<1x64x256xf32, #tpu.memory_space<vmem>>
    %dma_wait3A_363 = tpu.memref_squeeze %dma_wait3A_362 : memref<1x64x256xf32, #tpu.memory_space<vmem>> -> memref<64x256xf32, #tpu.memory_space<vmem>>
    %dma_wait3A_364 = arith.constant 0 : i32
    %dma_wait3A_365 = tpu.memref_slice %arg4[%add3A_218, %dma_wait3A_364] : memref<16384x256xf32, #tpu.memory_space<hbm>> -> memref<64x256xf32, #tpu.memory_space<hbm>>
    %dma_wait3A_366 = arith.constant 0 : i32
    %dma_wait3A_367 = tpu.memref_slice %arg4[%add3A_218, %dma_wait3A_366] : memref<16384x256xf32, #tpu.memory_space<hbm>> -> memref<64x256xf32, #tpu.memory_space<hbm>>
    %dma_wait3A_368 = arith.constant 0 : i32
    %dma_wait3A_369 = arith.constant 0 : i32
    %dma_wait3A_370 = tpu.memref_slice %arg6[%dma_wait3A_359, %dma_wait3A_368, %dma_wait3A_369] : memref<6x64x256xf32, #tpu.memory_space<vmem>> -> memref<1x64x256xf32, #tpu.memory_space<vmem>>
    %dma_wait3A_371 = tpu.memref_squeeze %dma_wait3A_370 : memref<1x64x256xf32, #tpu.memory_space<vmem>> -> memref<64x256xf32, #tpu.memory_space<vmem>>
    tpu.wait_dma2 semaphore(%arg17 : memref<!tpu.dma_semaphore, #tpu.memory_space<semaphore_mem>>) src(%dma_wait3A_371 : memref<64x256xf32, #tpu.memory_space<vmem>>) dst(%dma_wait3A_367 : memref<64x256xf32, #tpu.memory_space<hbm>>)
    %dma_wait3A_372 = arith.constant 5 : i32
    %dma_wait3A_373 = arith.constant 0 : i32
    %dma_wait3A_374 = arith.constant 0 : i32
    %dma_wait3A_375 = tpu.memref_slice %arg6[%dma_wait3A_372, %dma_wait3A_373, %dma_wait3A_374] : memref<6x64x256xf32, #tpu.memory_space<vmem>> -> memref<1x64x256xf32, #tpu.memory_space<vmem>>
    %dma_wait3A_376 = tpu.memref_squeeze %dma_wait3A_375 : memref<1x64x256xf32, #tpu.memory_space<vmem>> -> memref<64x256xf32, #tpu.memory_space<vmem>>
    %dma_wait3A_377 = arith.constant 0 : i32
    %dma_wait3A_378 = tpu.memref_slice %arg4[%add3A_243, %dma_wait3A_377] : memref<16384x256xf32, #tpu.memory_space<hbm>> -> memref<64x256xf32, #tpu.memory_space<hbm>>
    %dma_wait3A_379 = arith.constant 0 : i32
    %dma_wait3A_380 = tpu.memref_slice %arg4[%add3A_243, %dma_wait3A_379] : memref<16384x256xf32, #tpu.memory_space<hbm>> -> memref<64x256xf32, #tpu.memory_space<hbm>>
    %dma_wait3A_381 = arith.constant 0 : i32
    %dma_wait3A_382 = arith.constant 0 : i32
    %dma_wait3A_383 = tpu.memref_slice %arg6[%dma_wait3A_372, %dma_wait3A_381, %dma_wait3A_382] : memref<6x64x256xf32, #tpu.memory_space<vmem>> -> memref<1x64x256xf32, #tpu.memory_space<vmem>>
    %dma_wait3A_384 = tpu.memref_squeeze %dma_wait3A_383 : memref<1x64x256xf32, #tpu.memory_space<vmem>> -> memref<64x256xf32, #tpu.memory_space<vmem>>
    tpu.wait_dma2 semaphore(%arg18 : memref<!tpu.dma_semaphore, #tpu.memory_space<semaphore_mem>>) src(%dma_wait3A_384 : memref<64x256xf32, #tpu.memory_space<vmem>>) dst(%dma_wait3A_380 : memref<64x256xf32, #tpu.memory_space<hbm>>)
    return
  }
}

module attributes {stable_mosaic.version = 14 : i64} {
  func.func @body(%arg0: i32, %arg1: memref<1024x256xf32, #tpu.memory_space<vmem>>, %arg2: memref<1x1xf32, #tpu.memory_space<smem>>, %arg3: memref<2048x256xf32, #tpu.memory_space<vmem>>) attributes {dimension_semantics = [#tpu.dimension_semantics<arbitrary>], iteration_bounds = array<i64: 8>, scalar_prefetch = 0 : i64, scratch_operands = 0 : i64, tpu.core_type = #tpu.core_type<tc>, window_params = [{transform_indices = @transform_0, window_bounds = array<i64: 1024, 256>}, {transform_indices = @transform_1, window_bounds = array<i64: 1, 1>}, {transform_indices = @transform_2, window_bounds = array<i64: 2048, 256>}]} {
    %eq3A = arith.constant 0 : i32
    %eq3A_0 = arith.cmpi eq, %arg0, %eq3A : i32
    %convert_element_type3A = arith.extui %eq3A_0 : i1 to i32
    %cond3A = arith.constant 0 : i32
    %cond3A_1 = arith.cmpi ne, %convert_element_type3A, %cond3A : i32
    scf.if %cond3A_1 {
      %swap3A_19 = arith.constant 0.000000e+00 : f32
      %swap3A_20 = arith.constant 0 : index
      %swap3A_21 = arith.constant 0 : index
      %swap3A_22 = memref.load %arg2[%swap3A_20, %swap3A_21] : memref<1x1xf32, #tpu.memory_space<smem>>
      memref.store %swap3A_19, %arg2[%swap3A_20, %swap3A_21] : memref<1x1xf32, #tpu.memory_space<smem>>
    } else {
    }
    %get3A = arith.constant 0 : index
    %get3A_2 = arith.constant 0 : index
    %get3A_3 = vector.load %arg1[%get3A, %get3A_2] : memref<1024x256xf32, #tpu.memory_space<vmem>>, vector<1024x256xf32>
    %get3A_4 = arith.constant 0 : index
    %get3A_5 = arith.constant 0 : index
    %get3A_6 = memref.load %arg2[%get3A_4, %get3A_5] : memref<1x1xf32, #tpu.memory_space<smem>>
    %mul3A = arith.mulf %get3A_3, %get3A_3 : vector<1024x256xf32>
    %reduce_sum3A = vector.shape_cast %mul3A : vector<1024x256xf32> to vector<1x1024x256xf32>
    %reduce_sum3A_7 = arith.constant dense<0.000000e+00> : vector<1xf32>
    %reduce_sum3A_8 = vector.multi_reduction <add>, %reduce_sum3A, %reduce_sum3A_7 [1, 2] : vector<1x1024x256xf32> to vector<1xf32>
    %reduce_sum3A_9 = vector.shape_cast %reduce_sum3A_8 : vector<1xf32> to vector<1x1x1xf32>
    %reduce_sum3A_10 = vector.extract %reduce_sum3A_9[0, 0, 0] : f32 from vector<1x1x1xf32>
    %mul3A_11 = arith.constant 2.500000e-01 : f32
    %mul3A_12 = arith.mulf %mul3A_11, %reduce_sum3A_10 : f32
    %add3A = arith.addf %get3A_6, %mul3A_12 : f32
    %swap3A = arith.constant 0 : index
    %swap3A_13 = arith.constant 0 : index
    %swap3A_14 = memref.load %arg2[%swap3A, %swap3A_13] : memref<1x1xf32, #tpu.memory_space<smem>>
    memref.store %add3A, %arg2[%swap3A, %swap3A_13] : memref<1x1xf32, #tpu.memory_space<smem>>
    %broadcast_in_dim3A = arith.constant 0.000000e+00 : f32
    %broadcast_in_dim3A_15 = vector.broadcast %broadcast_in_dim3A : f32 to vector<2048x256xf32>
    %swap3A_16 = arith.constant 0 : index
    %swap3A_17 = arith.constant 0 : index
    %swap3A_18 = vector.load %arg3[%swap3A_16, %swap3A_17] : memref<2048x256xf32, #tpu.memory_space<vmem>>, vector<2048x256xf32>
    tpu.vector_store %arg3[%swap3A_16, %swap3A_17], %broadcast_in_dim3A_15 {strides = array<i32>} : memref<2048x256xf32, #tpu.memory_space<vmem>>, vector<2048x256xf32>,
    return
  }
  func.func @transform_0(%arg0: i32) -> (i32, i32) {
    %c0_i32 = arith.constant 0 : i32
    %c0_i32_0 = arith.constant 0 : i32
    return %arg0, %c0_i32 : i32, i32
  }
  func.func @transform_1(%arg0: i32) -> (i32, i32) {
    %c0_i32 = arith.constant 0 : i32
    %c0_i32_0 = arith.constant 0 : i32
    %c0_i32_1 = arith.constant 0 : i32
    return %c0_i32, %c0_i32_0 : i32, i32
  }
  func.func @transform_2(%arg0: i32) -> (i32, i32) {
    %c0_i32 = arith.constant 0 : i32
    %c0_i32_0 = arith.constant 0 : i32
    return %arg0, %c0_i32 : i32, i32
  }
}

</mosaic_0001>

<sc_bundles>
// kernel: kernel.4.cloned.1.call-start
scs
__scs_entry_jumppad:
0x0: {  	(pc) =	sbr.rel $0x88, $3  }
0x1: {  	(tag) =	ssettag $0x0;
	lr =	simm.s32 $0x1  }
0x2: {  	[smem:$0x3F9F] =	sst lr;
	_ =	strace $0xD0000000  }
0x3: {  	_ = 	snop  }
0x4: {  	_ = 	snop  }
0x5: {  	_ = 	snop  }
0x6: {  	_ = 	snop  }
0x7: {  	_ = 	snop  }
__scs_overlays_trampoline_lowered:
0x8: {  	[smem:$0x3FAE] =	sst s0  }
0x9: {  	[smem:$0x3FAF] =	sst s1  }
0xa: {  	[smem:$0x3FB0] =	sst s2  }
0xb: {  	[smem:$0x3FB1] =	sst s3  }
0xc: {  	[smem:$0x3FB2] =	sst s4  }
0xd: {  	[smem:$0x3FB3] =	sst s5  }
0xe: {  	[smem:$0x3FB4] =	sst s6  }
0xf: {  	[smem:$0x3FB5] =	sst s7  }
0x10: {  	[smem:$0x3FB6] =	sst s8  }
0x11: {  	[smem:$0x3FB7] =	sst s9;
	s0 =	simm.s32 @!p0 $0x0  }
0x12: {  	s1 =	sld [smem:$0x3F9D];
	s0 =	simm.s32 @p0 $0x1  }
0x13: {  	[smem:$0x3FB8] =	sst s0;
	s0 =	simm.s32 @!p1 $0x0  }
0x14: {  	s2 =	sld [smem:$0x3F9C];
	s0 =	simm.s32 @p1 $0x1  }
0x15: {  	[smem:$0x3FB9] =	sst s0;
	s0 =	simm.s32 @!p2 $0x0  }
0x16: {  	s3 =	sld [smem:$0x3FDB];
	s0 =	simm.s32 @p2 $0x1  }
0x17: {  	s4 =	simm.s32 $0x1BF5;
	[smem:$0x3FBB] =	sst s0  }
0x18: {  	s0 =	sld [smem:$0x3F9E];
	_ =	swait.ge [sflag:s4], $0x0  }
0x19: {  	s7 =	sld [smem:$0x3F9F]  }
0x1a: {  	s8 =	sadd.s32 $0xFFFFE003, lr  }
0x1b: {  	s9 =	sadd.s32 $0xFFFFFEF7, lr;
	s5 =	simm.s32 $0xFFFFFFFF;
	p2 =	slt.u32 s8, $0xFFFFF086  }
0x1c: {  	p1 =	slt.u32 s9, $0xF7A;
	s5 =	simm.s32 @!p2 $0x0  }
0x1d: {  	s5 =	simm.s32 @p1 $0x1;
	p0 =	seq.s32 s7, s2  }
0x1e: {  	s7 =	smul.u32 @!p0 $0xF7A, s2;
	p2 =	seq.s32 @!p0 s5, $0x0  }
0x1f: {  	s9 =	smul.u32 $0xF7A, s1;
	s8 =	simm.s32 @!p0 $0x1BF5;
	p2 =	por !p2, p0  }
0x20: {  	[sflag:s8] =	ssyncset.s32 @!p0 $0xFFFFF086;
	s6 =	sadd.s32 @!p0 s3, s7;
	s7 =	simm.s32 @!p0 $0x108  }
0x21: {  	s3 =	sadd.s32 s3, s9;
	s6 =	sadd.s32 @!p0 $0x88, s6;
	s7 =	simm.s32 @p2 $0x1082  }
0x22: {  	[simem:s7], [sflag:s8] =	dma.local @!p0 [hbm:s6], $0xF7A  }
0x23: {  	s9 =	sor.u32 $0xD0000000, s2;
	s6 =	simm.s32 $0x108;
	_ =	swait.ge @!p0 [sflag:s8], $0x0  }
0x24: {  	s3 =	sadd.s32 $0x88, s3;
	s6 =	simm.s32 @!p1 $0x1082;
	[sflag:s4] =	ssyncset.s32 $0xFFFFF086  }
0x25: {  	[simem:s6], [sflag:s4] =	dma.local [hbm:s3], $0xF7A  }
0x26: {  	[smem:$0x3F9F] =	sst s1;
	(tag) =	ssettag s2;
	_ =	strace s9  }
0x27: {  	s1 =	sld [smem:$0x3FAF]  }
0x28: {  	s2 =	sld [smem:$0x3FB0]  }
0x29: {  	s4 =	sld [smem:$0x3FB2]  }
0x2a: {  	p0 =	seq.s32 s5, $0x0;
	s5 =	sld [smem:$0x3FB3]  }
0x2b: {  	s6 =	sld [smem:$0x3FB4]  }
0x2c: {  	s7 =	sld [smem:$0x3FB5]  }
0x2d: {  	s3 =	simm.s32 $0x108;
	s8 =	sld [smem:$0x3FB6]  }
0x2e: {  	s3 =	simm.s32 @!p0 $0x1082;
	s9 =	sld [smem:$0x3FB7]  }
0x2f: {  	lr =	sadd.s32 s0, s3;
	s0 =	sld [smem:$0x3FAE]  }
0x30: {  	s3 =	sld [smem:$0x3FB1]  }
0x31: {  	[smem:$0x3FBA] =	sst s10  }
0x32: {  	s10 =	sld [smem:$0x3FB8];
	_ =	sdelay $0x3  }
0x33: {  	p0 =	seq.s32 s10, $0x1;
	s10 =	sld [smem:$0x3FBA];
	_ =	sdelay $0x3  }
0x34: {  	[smem:$0x3FBA] =	sst s10  }
0x35: {  	s10 =	sld [smem:$0x3FB9];
	_ =	sdelay $0x3  }
0x36: {  	p1 =	seq.s32 s10, $0x1;
	s10 =	sld [smem:$0x3FBA];
	_ =	sdelay $0x3  }
0x37: {  	[smem:$0x3FBA] =	sst s10  }
0x38: {  	s10 =	sld [smem:$0x3FBB]  }
0x39: {  	_ = 	snop;
	(pc) =	sbr.ind lr, $3  }
0x3a: {  	_ = 	snop  }
0x3b: {  	_ = 	snop  }
0x3c: {  	p2 =	seq.s32 s10, $0x1;
	s10 =	sld [smem:$0x3FBA]  }
0x3d: {  	_ =	shalt  }
0x3e: {  	_ =	shalt  }
0x3f: {  	_ =	shalt  }
0x40: {  	_ =	shalt  }
0x41: {  	_ =	shalt  }
0x42: {  	_ =	shalt  }
0x43: {  	_ =	shalt  }
0x44: {  	_ =	shalt  }
0x45: {  	_ =	shalt  }
0x46: {  	_ =	shalt  }
0x47: {  	_ =	shalt  }
0x48: {  	_ =	shalt  }
0x49: {  	_ =	shalt  }
0x4a: {  	_ =	shalt  }
0x4b: {  	_ =	shalt  }
0x4c: {  	_ =	shalt  }
0x4d: {  	_ =	shalt  }
0x4e: {  	_ =	shalt  }
0x4f: {  	_ =	shalt  }
0x50: {  	_ =	shalt  }
0x51: {  	_ =	shalt  }
0x52: {  	_ =	shalt  }
0x53: {  	_ =	shalt  }
0x54: {  	_ =	shalt  }
0x55: {  	_ =	shalt  }
0x56: {  	_ =	shalt  }
0x57: {  	_ =	shalt  }
0x58: {  	_ =	shalt  }
0x59: {  	_ =	shalt  }
0x5a: {  	_ =	shalt  }
0x5b: {  	_ =	shalt  }
0x5c: {  	_ =	shalt  }
0x5d: {  	_ =	shalt  }
0x5e: {  	_ =	shalt  }
0x5f: {  	_ =	shalt  }
0x60: {  	_ =	shalt  }
0x61: {  	_ =	shalt  }
0x62: {  	_ =	shalt  }
0x63: {  	_ =	shalt  }
0x64: {  	_ =	shalt  }
0x65: {  	_ =	shalt  }
0x66: {  	_ =	shalt  }
0x67: {  	_ =	shalt  }
0x68: {  	_ =	shalt  }
0x69: {  	_ =	shalt  }
0x6a: {  	_ =	shalt  }
0x6b: {  	_ =	shalt  }
0x6c: {  	_ =	shalt  }
0x6d: {  	_ =	shalt  }
0x6e: {  	_ =	shalt  }
0x6f: {  	_ =	shalt  }
0x70: {  	_ =	shalt  }
0x71: {  	_ =	shalt  }
0x72: {  	_ =	shalt  }
0x73: {  	_ =	shalt  }
0x74: {  	_ =	shalt  }
0x75: {  	_ =	shalt  }
0x76: {  	_ =	shalt  }
0x77: {  	_ =	shalt  }
0x78: {  	_ =	shalt  }
0x79: {  	_ =	shalt  }
0x7a: {  	_ =	shalt  }
0x7b: {  	_ =	shalt  }
0x7c: {  	_ =	shalt  }
0x7d: {  	_ =	shalt  }
0x7e: {  	_ =	shalt  }
0x7f: {  	_ =	shalt  }
0x80: {  	_ =	shalt  }
0x81: {  	_ =	shalt  }
0x82: {  	_ =	shalt  }
0x83: {  	_ =	shalt  }
0x84: {  	_ =	shalt  }
0x85: {  	_ =	shalt  }
0x86: {  	_ =	shalt  }
0x87: {  	_ =	shalt  }
.Lfunc_end0:
.L_simem_size_0:
called_computation_lowered:
.L_overlay_start_0:
0x88: {  	s2 =	sld [smem:$0x3FD9]  }
0x89: {  	s3 =	sld [smem:$0x3FFE];
	_ =	sdelay $0x1  }
0x8a: {  	s1 =	srdreg.scid  }
0x8b: {  	s0 =	sand.u32 $0x1, s1  }
0x8c: {  	s15 =	sshll.u32 s0, $0xA;
	s2 =	sadd.s32 s3, s2  }
0x8d: {  	s2 =	sadd.s32 s2, s15  }
0x8e: {  	[smem:$0x3FC6] =	sst s2  }
0x8f: {  	_ = 	snop  }
0x90: {  	s2 =	sld [smem:$0x3FD0];
	_ =	sdelay $0x1  }
0x91: {  	s16 =	sld [smem:$0x3FC9]  }
0x92: {  	s5 =	simm.s32 $0xA;
	s6 =	simm.s32 $0x10;
	s4 =	sld [smem:$0x3FC8]  }
0x93: {  	[smem:s6], [sflag:s5] =	dma.local [hbm:s2], $0x1  }
0x94: {  	_ =	swait.eq [sflag:s5], $0x1  }
0x95: {  	[sflag:s5] =	ssyncset.done $0x0  }
0x96: {  	[sflag:s5] =	ssyncadd.s32 $0xFFFFFFFF  }
0x97: {  	s17 =	sld [smem:$0x11];
	(tm) =	ssettm $0x1  }
0x98: {  	s18 =	sld [smem:$0x3FFB];
	_ =	sdelay $0x3  }
0x99: {  	_ =	strace s18  }
0x9a: {  	s5 =	sld [smem:$0x3FFC];
	_ =	sdelay $0x3  }
0x9b: {  	_ =	strace s5  }
0x9c: {  	s5 =	sld [smem:$0x3FFD];
	_ =	sdelay $0x3  }
0x9d: {  	_ =	strace s5  }
0x9e: {  	_ =	strace $0x8FFFFFFF  }
0x9f: {  	s19 =	sld [smem:$0x3FDB];
	_ =	sdelay $0x1  }
0xa0: {  	s20 =	simm.s32 $_scs_section_size  }
0xa1: {  	s7 =	simm.s32 $_size__tile_overlayer_lowered;
	s8 =	simm.s32 $_tile_overlayer_lowered  }
0xa2: {  	s23 =	simm.s32 $0x1BFF;
	s22 =	sshll.u32 s8, $0x1;
	s5 =	sadd.s32 s20, s19  }
0xa3: {  	s9 =	simm.s32 $0x0;
	s21 =	sshll.u32 s7, $0x1;
	s7 =	sadd.s32 s22, s5  }
0xa4: {  	[timem:s9], [sflag:s23] =	dma.local [hbm:s7], s21  }
0xa5: {  	_ =	swait.ge [sflag:s23], s21  }
0xa6: {  	s6 =	ssub.s32 $0x0, s21;
	[sflag:s23] =	ssyncset.done $0x0  }
0xa7: {  	[sflag:s23] =	ssyncadd.s32 s6;
	_ =	sdelay $0x1  }
0xa8: {  	s24 =	simm.s32 $0x1B8B  }
0xa9: {  	_ =	swait.ge [sflag:s24], $0x1  }
0xaa: {  	[sflag:s24] =	ssyncset.done $0x0  }
0xab: {  	s25 =	simm.s32 $0x1B8E;
	[sflag:s24] =	ssyncadd.s32 $0xFFFFFFFF  }
0xac: {  	s26 =	simm.s32 $execute0_lowered;
	[smem:$0x3FD2] =	sst s25  }
0xad: {  	s6 =	sshll.u32 s26, $0x1;
	_ =	strace $0x80000046;
	[dreg:$0x1] =	wrdreg $0xFFFFFFFF  }
0xae: {  	s28 =	simm.s32 $_size_execute0_lowered;
	s5 =	sadd.s32 s5, s6;
	[dreg:$0x0] =	wrdreg $0x0  }
0xaf: {  	s6 =	sshll.u32 s28, $0x1;
	[dreg:$0x2] =	wrdreg s5  }
0xb0: {  	[dreg:$0x3] =	wrdreg s6  }
0xb1: {  	[dreg:$0x4] =	wrdreg $0xC0  }
0xb2: {  	_ =	task [dreg:s9], $0x5FFFF  }
0xb3: {  	[dreg:$0x1] =	wrdreg $0xFFFFFFFF  }
0xb4: {  	[dreg:$0x0] =	wrdreg $0x60  }
0xb5: {  	[dreg:$0x2] =	wrdreg s16  }
0xb6: {  	[dreg:$0x3] =	wrdreg s4  }
0xb7: {  	[dreg:$0x4] =	wrdreg s17  }
0xb8: {  	[dreg:$0x5] =	wrdreg $0x9  }
0xb9: {  	_ =	task.clear_ibuf [dreg:s9], $0x6FFFF;
	_ =	strace $0x90000046  }
0xba: {  	s29 =	simm.s32 $0x9;
	_ =	strace $0x80000048  }
0xbb: {  	_ =	swait.ge [sflag:s29], $0x1  }
0xbc: {  	[sflag:s29] =	ssyncadd.s32 $0xFFFFFFFF  }
0xbd: {  	_ =	strace $0x90000048  }
0xbe: {  	_ =	sfence  }
0xbf: {  	s30 =	sld [smem:$0x0];
	_ =	sdelay $0x2  }
0xc0: {  	s31 =	sshll.u32 s1, $0xD;
	s1 =	sshrl.u32 s1, $0x2  }
0xc1: {  	s3 =	sand.u32 $0x4000, s31;
	s1 =	sadd.s32 s1, s30  }
0xc2: {  	s0 =	sor.u32 s3, s0;
	s1 =	sshll.u32 s1, $0x11  }
0xc3: {  	s0 =	sor.u32 s1, s0  }
0xc4: {  	s0 =	sadd.s32 $0x8F2B, s0  }
0xc5: {  	[sflag:s0] =	ssyncadd.remote.s32 $0x1  }
0xc6: {  	_ =	sfence.sel $0xFFFF  }
0xc7: {  	[dreg:$0x0] =	wrdreg $0xFFFFFFFF;
	(pc) =	sbr.abs _section_cstart, $3  }
0xc8: {  	[dreg:$0x1] =	wrdreg $0xFFFFFFFF  }
0xc9: {  	_ =	task.clear_ibuf [dreg:s9], $0x2FFFF;
	_ =	strace $0x9FFFFFFF  }
0xca: {  	(tm) =	ssettm $0x7FFFFFFF  }
0xcb: {  	_ =	shalt  }
tec
execute0_lowered:
.L_overlay_start_1:
0x0: {  	(tag) =	ssettag $0x1  }
0x1: {  	s0 =	rddreg [dreg:$0x0]  }
0x2: {  	s2 =	rddreg [dreg:$0x1];
	s3 =	stileid.u32  }
0x3: {  	s4 =	rddreg [dreg:$0x2];
	s5 =	sshll.u32 s3, $0xA;
	s3 =	simm.s32 $0x0  }
0x4: {  	s20 =	simm.s32 $0x8A00;
	[smem:$0x7FF] =	sst s3  }
0x5: {  	s21 =	simm.s32 $0x9200;
	_ =	strace $0x80000047;
	[dreg:$0xc] =	wrdreg s20  }
0x6: {  	s22 =	simm.s32 $0x9A00;
	[dreg:$0xd] =	wrdreg s21  }
0x7: {  	s23 =	simm.s32 $0xA200;
	[dreg:$0xe] =	wrdreg s22  }
0x8: {  	s24 =	simm.s32 $0xAA00;
	[dreg:$0xf] =	wrdreg s23  }
0x9: {  	s25 =	simm.s32 $0xB200;
	[dreg:$0x10] =	wrdreg s24  }
0xa: {  	s7 =	simm.s32 $0xD200;
	[dreg:$0x11] =	wrdreg s25  }
0xb: {  	s8 =	simm.s32 $0xDA00;
	[dreg:$0x14] =	wrdreg s7  }
0xc: {  	s1 =	srdreg.scid;
	s9 =	simm.s32 $0xE200;
	[dreg:$0x15] =	wrdreg s8  }
0xd: {  	s10 =	simm.s32 $0xEA00;
	s11 =	simm.s32 $0xF200;
	[dreg:$0x16] =	wrdreg s9  }
0xe: {  	s12 =	simm.s32 $0xFA00;
	s28 =	simm.s32 $0x1;
	[dreg:$0x17] =	wrdreg s10  }
0xf: {  	s29 =	simm.s32 $0x7;
	s30 =	simm.s32 $0x2;
	[dreg:$0x18] =	wrdreg s11  }
0x10: {  	s1 =	sand.u32 $0x1, s1;
	[dreg:$0x19] =	wrdreg s12;
	s20 =	simm.s32 $0x14A00  }
0x11: {  	s6 =	sshll.u32 s1, $0x9;
	s21 =	simm.s32 $0x15200;
	[smem:$0x7F7] =	sst s20  }
0x12: {  	s1 =	ssub.s32 $0x2, s1;
	s22 =	simm.s32 $0x15A00;
	[smem:$0x7F8] =	sst s21  }
0x13: {  	s5 =	sor.u32 s6, s5;
	s23 =	simm.s32 $0x16200;
	[smem:$0x7F9] =	sst s22  }
0x14: {  	s26 =	sshrl.u32 s1, $0x1;
	s24 =	simm.s32 $0x16A00;
	[smem:$0x7FA] =	sst s23  }
0x15: {  	s25 =	simm.s32 $0x17200;
	s6 =	sshrl.u32 s5, $0x3;
	[smem:$0x7FB] =	sst s24  }
0x16: {  	s1 =	ssub.s32 s1, s26;
	[smem:$0x7FC] =	sst s25;
	s26 =	simm.s32 $0x17A00  }
0x17: {  	s5 =	sshll.u32 s5, $0x5;
	s0 =	sadd.s32 s0, s6;
	[smem:$0x7FD] =	sst s26  }
0x18: {  	s31 =	simm.s32 $0x8;
	s4 =	sadd.s32 s4, s5;
	[dreg:$0x4] =	wrdreg s0  }
0x19: {  	s7 =	simm.s32 $0x200;
	s6 =	simm.s32 $0xCA00;
	[smem:$0x7F5] =	sst s4  }
0x1a: {  	s12 =	simm.s32 $0xB;
	s13 =	sadd.s32 $0x800, s4;
	[dreg:$0x13] =	wrdreg s6  }
0x1b: {  	s8 =	simm.s32 $0x8200;
	s14 =	sadd.s32 $0x1000, s4;
	[dreg:$0x5] =	wrdreg s13  }
0x1c: {  	s9 =	simm.s32 $0xC200;
	s15 =	sadd.s32 $0x1800, s4;
	[dreg:$0x6] =	wrdreg s14  }
0x1d: {  	s10 =	simm.s32 $0x10200;
	s16 =	sadd.s32 $0x2000, s4;
	[dreg:$0x7] =	wrdreg s15  }
0x1e: {  	s11 =	simm.s32 $0x14200;
	s17 =	sadd.s32 $0x2800, s4;
	[dreg:$0x8] =	wrdreg s16  }
0x1f: {  	s20 =	simm.s32 $0x2200;
	s18 =	sadd.s32 $0x3000, s4;
	[dreg:$0x9] =	wrdreg s17  }
0x20: {  	s21 =	simm.s32 $0x2A00;
	s19 =	sadd.s32 $0x3800, s4;
	[dreg:$0xa] =	wrdreg s18  }
0x21: {  	s22 =	simm.s32 $0x3200;
	s4 =	simm.s32 $0xBA00;
	[dreg:$0xb] =	wrdreg s19  }
0x22: {  	s23 =	simm.s32 $0x3A00;
	[dreg:$0x12] =	wrdreg s4;
	s13 =	simm.s32 $0x10A00  }
0x23: {  	s24 =	simm.s32 $0x4A00;
	s14 =	simm.s32 $0x11200;
	[dreg:$0x1a] =	wrdreg s13  }
0x24: {  	s25 =	simm.s32 $0x5200;
	s15 =	simm.s32 $0x11A00;
	[dreg:$0x1b] =	wrdreg s14  }
0x25: {  	s5 =	smax.u32 s1, $0x1;
	s16 =	simm.s32 $0x12200;
	[dreg:$0x1c] =	wrdreg s15  }
0x26: {  	s26 =	simm.s32 $0x5A00;
	s17 =	simm.s32 $0x12A00;
	[dreg:$0x1d] =	wrdreg s16  }
0x27: {  	s1 =	simm.s32 $0x7200;
	s18 =	simm.s32 $0x13200;
	[dreg:$0x1e] =	wrdreg s17  }
0x28: {  	v2 =	vlaneseq.u32;
	s6 =	simm.s32 $0x6A00;
	s19 =	simm.s32 $0x13A00;
	[dreg:$0x1f] =	wrdreg s18  }
0x29: {  	vm0 =	vmmov $0xffff;
	v1 =	vshrl.u32 v2, $0x3;
	s15 =	simm.s32 $0x4200;
	[smem:$0x7F6] =	sst s19;
	s13 =	simm.s32 $0xC  }
0x2a: {  	v0 =	vand.u32 $0x7, v2;
	v2 =	vor.u32 $0x8, v2;
	v1 =	vmul.u32 $0x8, v1;
	s17 =	simm.s32 $0xA00;
	s18 =	simm.s32 $0x1200;
	s19 =	simm.s32 $0x1A00  }
.LBB2_1:
0x2b: {  	s14 =	rddreg [dreg:$0x4];
	s4 =	simm.s32 $0xD  }
0x2c: {  	[tilespmem:s3], [sflag:$0xD] =	stream.linear.gather [hbm4b:s14+s3], $0x200, $0x38;
	[tilespmem:$0x18200] =	vst v63  }
0x2d: {  	_ =	swait.ge [sflag:s4], $0x200  }
0x2e: {  	[sflag:s4] =	ssyncset.done $0x0  }
0x2f: {  	[sflag:s4] =	ssyncadd.s32 $0xFFFFFE00  }
0x30: {  	v3 =	vld [tilespmem:$0x0];
	_ =	sdelay $0x4  }
0x31: {  	v4 =	vshll.u32 v3, $0x1  }
0x32: {  	v3 =	vand.u32 $0x7, v3;
	v4 =	vand.u32 $0xFFFFFFF0, v4  }
0x33: {  	v3 =	vor.u32 v3, v4  }
0x34: {  	v4 =	vperm.xlane v3, v0;
	_ =	sdelay $0x1  }
0x35: {  	v3 =	vperm.xlane v3, v2;
	v4 =	vadd.s32 v1, v4;
	_ =	sdelay $0x1  }
0x36: {  	v3 =	vadd.s32 v1, v3;
	_ =	sdelay $0x2  }
0x37: {  	[tilespmem:s7], [sflag:$0x1] =	stream.indirect_vreg.gather [hbm4b:s2+s3], $0x80, v4, vm0, $0xb8;
	[tilespmem:$0x18200] =	vst v63  }
0x38: {  	_ = 	snop  }
0x39: {  	[tilespmem:s17], [sflag:$0x1] =	stream.indirect_vreg.gather [hbm4b:s2+s3], $0x80, v3, vm0, $0xb8;
	[tilespmem:$0x18200] =	vst v63  }
0x3a: {  	v3 =	vld [tilespmem:$0x10];
	_ =	sdelay $0x4  }
0x3b: {  	v33 =	vshll.u32 v3, $0x1  }
0x3c: {  	v3 =	vand.u32 $0x7, v3;
	v4 =	vand.u32 $0xFFFFFFF0, v33  }
0x3d: {  	v3 =	vor.u32 v3, v4  }
0x3e: {  	v4 =	vperm.xlane v3, v0;
	_ =	sdelay $0x1  }
0x3f: {  	v3 =	vperm.xlane v3, v2;
	v4 =	vadd.s32 v1, v4;
	_ =	sdelay $0x1  }
0x40: {  	v3 =	vadd.s32 v1, v3;
	_ =	sdelay $0x2  }
0x41: {  	[tilespmem:s18], [sflag:$0x1] =	stream.indirect_vreg.gather [hbm4b:s2+s3], $0x80, v4, vm0, $0xb8;
	[tilespmem:$0x18200] =	vst v63  }
0x42: {  	_ = 	snop  }
0x43: {  	[tilespmem:s19], [sflag:$0x1] =	stream.indirect_vreg.gather [hbm4b:s2+s3], $0x80, v3, vm0, $0xb8;
	[tilespmem:$0x18200] =	vst v63  }
0x44: {  	v3 =	vld [tilespmem:$0x20];
	_ =	sdelay $0x4  }
0x45: {  	v34 =	vshll.u32 v3, $0x1  }
0x46: {  	v3 =	vand.u32 $0x7, v3;
	v4 =	vand.u32 $0xFFFFFFF0, v34  }
0x47: {  	v3 =	vor.u32 v3, v4  }
0x48: {  	v4 =	vperm.xlane v3, v0;
	_ =	sdelay $0x1  }
0x49: {  	v3 =	vperm.xlane v3, v2;
	v4 =	vadd.s32 v1, v4;
	_ =	sdelay $0x1  }
0x4a: {  	v3 =	vadd.s32 v1, v3;
	_ =	sdelay $0x2  }
0x4b: {  	[tilespmem:s20], [sflag:$0x1] =	stream.indirect_vreg.gather [hbm4b:s2+s3], $0x80, v4, vm0, $0xb8;
	[tilespmem:$0x18200] =	vst v63  }
0x4c: {  	_ = 	snop  }
0x4d: {  	[tilespmem:s21], [sflag:$0x1] =	stream.indirect_vreg.gather [hbm4b:s2+s3], $0x80, v3, vm0, $0xb8;
	[tilespmem:$0x18200] =	vst v63  }
0x4e: {  	v3 =	vld [tilespmem:$0x30];
	_ =	sdelay $0x4  }
0x4f: {  	v35 =	vshll.u32 v3, $0x1  }
0x50: {  	v3 =	vand.u32 $0x7, v3;
	v4 =	vand.u32 $0xFFFFFFF0, v35  }
0x51: {  	v3 =	vor.u32 v3, v4  }
0x52: {  	v4 =	vperm.xlane v3, v0;
	_ =	sdelay $0x1  }
0x53: {  	v3 =	vperm.xlane v3, v2;
	v4 =	vadd.s32 v1, v4;
	_ =	sdelay $0x1  }
0x54: {  	v3 =	vadd.s32 v1, v3;
	_ =	sdelay $0x2  }
0x55: {  	[tilespmem:s22], [sflag:$0x1] =	stream.indirect_vreg.gather [hbm4b:s2+s3], $0x80, v4, vm0, $0xb8;
	[tilespmem:$0x18200] =	vst v63  }
0x56: {  	_ = 	snop  }
0x57: {  	[tilespmem:s23], [sflag:$0x1] =	stream.indirect_vreg.gather [hbm4b:s2+s3], $0x80, v3, vm0, $0xb8;
	[tilespmem:$0x18200] =	vst v63  }
0x58: {  	v3 =	vld [tilespmem:$0x40];
	_ =	sdelay $0x4  }
0x59: {  	v36 =	vshll.u32 v3, $0x1  }
0x5a: {  	v3 =	vand.u32 $0x7, v3;
	v4 =	vand.u32 $0xFFFFFFF0, v36  }
0x5b: {  	v3 =	vor.u32 v3, v4  }
0x5c: {  	v4 =	vperm.xlane v3, v0;
	_ =	sdelay $0x1  }
0x5d: {  	v3 =	vperm.xlane v3, v2;
	v4 =	vadd.s32 v1, v4;
	_ =	sdelay $0x1  }
0x5e: {  	v3 =	vadd.s32 v1, v3;
	_ =	sdelay $0x2  }
0x5f: {  	[tilespmem:s15], [sflag:$0x2] =	stream.indirect_vreg.gather [hbm4b:s2+s3], $0x80, v4, vm0, $0xb8;
	[tilespmem:$0x18200] =	vst v63  }
0x60: {  	_ = 	snop  }
0x61: {  	[tilespmem:s24], [sflag:$0x2] =	stream.indirect_vreg.gather [hbm4b:s2+s3], $0x80, v3, vm0, $0xb8;
	[tilespmem:$0x18200] =	vst v63  }
0x62: {  	v3 =	vld [tilespmem:$0x50];
	_ =	sdelay $0x4  }
0x63: {  	v37 =	vshll.u32 v3, $0x1  }
0x64: {  	v3 =	vand.u32 $0x7, v3;
	v4 =	vand.u32 $0xFFFFFFF0, v37  }
0x65: {  	v3 =	vor.u32 v3, v4  }
0x66: {  	v4 =	vperm.xlane v3, v0;
	_ =	sdelay $0x1  }
0x67: {  	v3 =	vperm.xlane v3, v2;
	v4 =	vadd.s32 v1, v4;
	_ =	sdelay $0x1  }
0x68: {  	v3 =	vadd.s32 v1, v3;
	_ =	sdelay $0x2  }
0x69: {  	[tilespmem:s25], [sflag:$0x2] =	stream.indirect_vreg.gather [hbm4b:s2+s3], $0x80, v4, vm0, $0xb8;
	[tilespmem:$0x18200] =	vst v63  }
0x6a: {  	_ = 	snop  }
0x6b: {  	[tilespmem:s26], [sflag:$0x2] =	stream.indirect_vreg.gather [hbm4b:s2+s3], $0x80, v3, vm0, $0xb8;
	[tilespmem:$0x18200] =	vst v63  }
0x6c: {  	v3 =	vld [tilespmem:$0x60];
	_ =	sdelay $0x4  }
0x6d: {  	v38 =	vshll.u32 v3, $0x1  }
0x6e: {  	v3 =	vand.u32 $0x7, v3;
	v4 =	vand.u32 $0xFFFFFFF0, v38  }
0x6f: {  	v3 =	vor.u32 v3, v4  }
0x70: {  	v4 =	vperm.xlane v3, v0;
	_ =	sdelay $0x1  }
0x71: {  	v3 =	vperm.xlane v3, v2;
	v4 =	vadd.s32 v1, v4;
	_ =	sdelay $0x1  }
0x72: {  	v3 =	vadd.s32 v1, v3;
	_ =	sdelay $0x1  }
0x73: {  	s4 =	simm.s32 $0x6200  }
0x74: {  	[tilespmem:s4], [sflag:$0x2] =	stream.indirect_vreg.gather [hbm4b:s2+s3], $0x80, v4, vm0, $0xb8;
	[tilespmem:$0x18200] =	vst v63  }
0x75: {  	_ = 	snop  }
0x76: {  	[tilespmem:s6], [sflag:$0x2] =	stream.indirect_vreg.gather [hbm4b:s2+s3], $0x80, v3, vm0, $0xb8;
	[tilespmem:$0x18200] =	vst v63  }
0x77: {  	v3 =	vld [tilespmem:$0x70];
	_ =	sdelay $0x4  }
0x78: {  	v39 =	vshll.u32 v3, $0x1  }
0x79: {  	v3 =	vand.u32 $0x7, v3;
	v4 =	vand.u32 $0xFFFFFFF0, v39  }
0x7a: {  	v3 =	vor.u32 v3, v4  }
0x7b: {  	v4 =	vperm.xlane v3, v0;
	_ =	sdelay $0x1  }
0x7c: {  	v3 =	vperm.xlane v3, v2;
	v4 =	vadd.s32 v1, v4;
	_ =	sdelay $0x1  }
0x7d: {  	v3 =	vadd.s32 v1, v3;
	_ =	sdelay $0x2  }
0x7e: {  	[tilespmem:s1], [sflag:$0x2] =	stream.indirect_vreg.gather [hbm4b:s2+s3], $0x80, v4, vm0, $0xb8;
	[tilespmem:$0x18200] =	vst v63  }
0x7f: {  	s0 =	simm.s32 $0x7A00  }
0x80: {  	[tilespmem:s0], [sflag:$0x2] =	stream.indirect_vreg.gather [hbm4b:s2+s3], $0x80, v3, vm0, $0xb8;
	[tilespmem:$0x18200] =	vst v63  }
0x81: {  	v3 =	vld [tilespmem:$0x80];
	_ =	sdelay $0x4  }
0x82: {  	v40 =	vshll.u32 v3, $0x1  }
0x83: {  	v3 =	vand.u32 $0x7, v3;
	v4 =	vand.u32 $0xFFFFFFF0, v40  }
0x84: {  	v3 =	vor.u32 v3, v4  }
0x85: {  	v4 =	vperm.xlane v3, v0;
	_ =	sdelay $0x1  }
0x86: {  	v3 =	vperm.xlane v3, v2;
	v4 =	vadd.s32 v1, v4;
	_ =	sdelay $0x1  }
0x87: {  	v3 =	vadd.s32 v1, v3;
	_ =	sdelay $0x2  }
0x88: {  	[tilespmem:s8], [sflag:$0x3] =	stream.indirect_vreg.gather [hbm4b:s2+s3], $0x80, v4, vm0, $0xb8;
	[tilespmem:$0x18200] =	vst v63  }
0x89: {  	s16 =	rddreg [dreg:$0xc]  }
0x8a: {  	[tilespmem:s16], [sflag:$0x3] =	stream.indirect_vreg.gather [hbm4b:s2+s3], $0x80, v3, vm0, $0xb8;
	[tilespmem:$0x18200] =	vst v63  }
0x8b: {  	v3 =	vld [tilespmem:$0x90];
	_ =	sdelay $0x4  }
0x8c: {  	v41 =	vshll.u32 v3, $0x1  }
0x8d: {  	v3 =	vand.u32 $0x7, v3;
	v4 =	vand.u32 $0xFFFFFFF0, v41  }
0x8e: {  	v3 =	vor.u32 v3, v4  }
0x8f: {  	v4 =	vperm.xlane v3, v0;
	_ =	sdelay $0x1  }
0x90: {  	v3 =	vperm.xlane v3, v2;
	v4 =	vadd.s32 v1, v4;
	_ =	sdelay $0x1  }
0x91: {  	v3 =	vadd.s32 v1, v3;
	_ =	sdelay $0x1  }
0x92: {  	s14 =	rddreg [dreg:$0xd]  }
0x93: {  	[tilespmem:s14], [sflag:$0x3] =	stream.indirect_vreg.gather [hbm4b:s2+s3], $0x80, v4, vm0, $0xb8;
	[tilespmem:$0x18200] =	vst v63  }
0x94: {  	s16 =	rddreg [dreg:$0xe]  }
0x95: {  	[tilespmem:s16], [sflag:$0x3] =	stream.indirect_vreg.gather [hbm4b:s2+s3], $0x80, v3, vm0, $0xb8;
	[tilespmem:$0x18200] =	vst v63  }
0x96: {  	v3 =	vld [tilespmem:$0xA0];
	_ =	sdelay $0x4  }
0x97: {  	v42 =	vshll.u32 v3, $0x1  }
0x98: {  	v3 =	vand.u32 $0x7, v3;
	v4 =	vand.u32 $0xFFFFFFF0, v42  }
0x99: {  	v3 =	vor.u32 v3, v4  }
0x9a: {  	v4 =	vperm.xlane v3, v0;
	_ =	sdelay $0x1  }
0x9b: {  	v3 =	vperm.xlane v3, v2;
	v4 =	vadd.s32 v1, v4;
	_ =	sdelay $0x1  }
0x9c: {  	v3 =	vadd.s32 v1, v3;
	_ =	sdelay $0x1  }
0x9d: {  	s14 =	rddreg [dreg:$0xf]  }
0x9e: {  	[tilespmem:s14], [sflag:$0x3] =	stream.indirect_vreg.gather [hbm4b:s2+s3], $0x80, v4, vm0, $0xb8;
	[tilespmem:$0x18200] =	vst v63  }
0x9f: {  	s16 =	rddreg [dreg:$0x10]  }
0xa0: {  	[tilespmem:s16], [sflag:$0x3] =	stream.indirect_vreg.gather [hbm4b:s2+s3], $0x80, v3, vm0, $0xb8;
	[tilespmem:$0x18200] =	vst v63  }
0xa1: {  	v3 =	vld [tilespmem:$0xB0];
	_ =	sdelay $0x4  }
0xa2: {  	v43 =	vshll.u32 v3, $0x1  }
0xa3: {  	v3 =	vand.u32 $0x7, v3;
	v4 =	vand.u32 $0xFFFFFFF0, v43  }
0xa4: {  	v3 =	vor.u32 v3, v4  }
0xa5: {  	v4 =	vperm.xlane v3, v0;
	_ =	sdelay $0x1  }
0xa6: {  	v3 =	vperm.xlane v3, v2;
	v4 =	vadd.s32 v1, v4;
	_ =	sdelay $0x1  }
0xa7: {  	v3 =	vadd.s32 v1, v3;
	_ =	sdelay $0x1  }
0xa8: {  	s14 =	rddreg [dreg:$0x11]  }
0xa9: {  	[tilespmem:s14], [sflag:$0x3] =	stream.indirect_vreg.gather [hbm4b:s2+s3], $0x80, v4, vm0, $0xb8;
	[tilespmem:$0x18200] =	vst v63  }
0xaa: {  	s16 =	rddreg [dreg:$0x12]  }
0xab: {  	[tilespmem:s16], [sflag:$0x3] =	stream.indirect_vreg.gather [hbm4b:s2+s3], $0x80, v3, vm0, $0xb8;
	[tilespmem:$0x18200] =	vst v63  }
0xac: {  	v3 =	vld [tilespmem:$0xC0];
	_ =	sdelay $0x4  }
0xad: {  	v44 =	vshll.u32 v3, $0x1  }
0xae: {  	v3 =	vand.u32 $0x7, v3;
	v4 =	vand.u32 $0xFFFFFFF0, v44  }
0xaf: {  	v3 =	vor.u32 v3, v4  }
0xb0: {  	v4 =	vperm.xlane v3, v0;
	_ =	sdelay $0x1  }
0xb1: {  	v3 =	vperm.xlane v3, v2;
	v4 =	vadd.s32 v1, v4;
	_ =	sdelay $0x1  }
0xb2: {  	v3 =	vadd.s32 v1, v3;
	_ =	sdelay $0x2  }
0xb3: {  	[tilespmem:s9], [sflag:$0x4] =	stream.indirect_vreg.gather [hbm4b:s2+s3], $0x80, v4, vm0, $0xb8;
	[tilespmem:$0x18200] =	vst v63  }
0xb4: {  	s16 =	rddreg [dreg:$0x13]  }
0xb5: {  	[tilespmem:s16], [sflag:$0x4] =	stream.indirect_vreg.gather [hbm4b:s2+s3], $0x80, v3, vm0, $0xb8;
	[tilespmem:$0x18200] =	vst v63  }
0xb6: {  	v3 =	vld [tilespmem:$0xD0];
	_ =	sdelay $0x4  }
0xb7: {  	v45 =	vshll.u32 v3, $0x1  }
0xb8: {  	v3 =	vand.u32 $0x7, v3;
	v4 =	vand.u32 $0xFFFFFFF0, v45  }
0xb9: {  	v3 =	vor.u32 v3, v4  }
0xba: {  	v4 =	vperm.xlane v3, v0;
	_ =	sdelay $0x1  }
0xbb: {  	v3 =	vperm.xlane v3, v2;
	v4 =	vadd.s32 v1, v4;
	_ =	sdelay $0x1  }
0xbc: {  	v3 =	vadd.s32 v1, v3;
	_ =	sdelay $0x1  }
0xbd: {  	s14 =	rddreg [dreg:$0x14]  }
0xbe: {  	[tilespmem:s14], [sflag:$0x4] =	stream.indirect_vreg.gather [hbm4b:s2+s3], $0x80, v4, vm0, $0xb8;
	[tilespmem:$0x18200] =	vst v63  }
0xbf: {  	s16 =	rddreg [dreg:$0x15]  }
0xc0: {  	[tilespmem:s16], [sflag:$0x4] =	stream.indirect_vreg.gather [hbm4b:s2+s3], $0x80, v3, vm0, $0xb8;
	[tilespmem:$0x18200] =	vst v63  }
0xc1: {  	v3 =	vld [tilespmem:$0xE0];
	_ =	sdelay $0x4  }
0xc2: {  	v46 =	vshll.u32 v3, $0x1  }
0xc3: {  	v3 =	vand.u32 $0x7, v3;
	v4 =	vand.u32 $0xFFFFFFF0, v46  }
0xc4: {  	v3 =	vor.u32 v3, v4  }
0xc5: {  	v4 =	vperm.xlane v3, v0;
	_ =	sdelay $0x1  }
0xc6: {  	v3 =	vperm.xlane v3, v2;
	v4 =	vadd.s32 v1, v4;
	_ =	sdelay $0x1  }
0xc7: {  	v3 =	vadd.s32 v1, v3;
	_ =	sdelay $0x1  }
0xc8: {  	s14 =	rddreg [dreg:$0x16]  }
0xc9: {  	[tilespmem:s14], [sflag:$0x4] =	stream.indirect_vreg.gather [hbm4b:s2+s3], $0x80, v4, vm0, $0xb8;
	[tilespmem:$0x18200] =	vst v63  }
0xca: {  	s16 =	rddreg [dreg:$0x17]  }
0xcb: {  	[tilespmem:s16], [sflag:$0x4] =	stream.indirect_vreg.gather [hbm4b:s2+s3], $0x80, v3, vm0, $0xb8;
	[tilespmem:$0x18200] =	vst v63  }
0xcc: {  	v3 =	vld [tilespmem:$0xF0];
	_ =	sdelay $0x4  }
0xcd: {  	v47 =	vshll.u32 v3, $0x1  }
0xce: {  	v3 =	vand.u32 $0x7, v3;
	v4 =	vand.u32 $0xFFFFFFF0, v47  }
0xcf: {  	v3 =	vor.u32 v3, v4  }
0xd0: {  	v4 =	vperm.xlane v3, v0;
	_ =	sdelay $0x1  }
0xd1: {  	v3 =	vperm.xlane v3, v2;
	v4 =	vadd.s32 v1, v4;
	_ =	sdelay $0x1  }
0xd2: {  	v3 =	vadd.s32 v1, v3;
	_ =	sdelay $0x1  }
0xd3: {  	s14 =	rddreg [dreg:$0x18]  }
0xd4: {  	[tilespmem:s14], [sflag:$0x4] =	stream.indirect_vreg.gather [hbm4b:s2+s3], $0x80, v4, vm0, $0xb8;
	[tilespmem:$0x18200] =	vst v63  }
0xd5: {  	s16 =	rddreg [dreg:$0x19]  }
0xd6: {  	[tilespmem:s16], [sflag:$0x4] =	stream.indirect_vreg.gather [hbm4b:s2+s3], $0x80, v3, vm0, $0xb8;
	[tilespmem:$0x18200] =	vst v63  }
0xd7: {  	v3 =	vld [tilespmem:$0x100];
	_ =	sdelay $0x4  }
0xd8: {  	v48 =	vshll.u32 v3, $0x1  }
0xd9: {  	v3 =	vand.u32 $0x7, v3;
	v4 =	vand.u32 $0xFFFFFFF0, v48  }
0xda: {  	v3 =	vor.u32 v3, v4  }
0xdb: {  	v4 =	vperm.xlane v3, v0;
	_ =	sdelay $0x1  }
0xdc: {  	v3 =	vperm.xlane v3, v2;
	v4 =	vadd.s32 v1, v4;
	_ =	sdelay $0x1  }
0xdd: {  	v3 =	vadd.s32 v1, v3;
	_ =	sdelay $0x2  }
0xde: {  	[tilespmem:s10], [sflag:$0x5] =	stream.indirect_vreg.gather [hbm4b:s2+s3], $0x80, v4, vm0, $0xb8;
	[tilespmem:$0x18200] =	vst v63  }
0xdf: {  	s16 =	rddreg [dreg:$0x1a]  }
0xe0: {  	[tilespmem:s16], [sflag:$0x5] =	stream.indirect_vreg.gather [hbm4b:s2+s3], $0x80, v3, vm0, $0xb8;
	[tilespmem:$0x18200] =	vst v63  }
0xe1: {  	v3 =	vld [tilespmem:$0x110];
	_ =	sdelay $0x4  }
0xe2: {  	v49 =	vshll.u32 v3, $0x1  }
0xe3: {  	v3 =	vand.u32 $0x7, v3;
	v4 =	vand.u32 $0xFFFFFFF0, v49  }
0xe4: {  	v3 =	vor.u32 v3, v4  }
0xe5: {  	v4 =	vperm.xlane v3, v0;
	_ =	sdelay $0x1  }
0xe6: {  	v3 =	vperm.xlane v3, v2;
	v4 =	vadd.s32 v1, v4;
	_ =	sdelay $0x1  }
0xe7: {  	v3 =	vadd.s32 v1, v3;
	_ =	sdelay $0x1  }
0xe8: {  	s14 =	rddreg [dreg:$0x1b]  }
0xe9: {  	[tilespmem:s14], [sflag:$0x5] =	stream.indirect_vreg.gather [hbm4b:s2+s3], $0x80, v4, vm0, $0xb8;
	[tilespmem:$0x18200] =	vst v63  }
0xea: {  	s16 =	rddreg [dreg:$0x1c]  }
0xeb: {  	[tilespmem:s16], [sflag:$0x5] =	stream.indirect_vreg.gather [hbm4b:s2+s3], $0x80, v3, vm0, $0xb8;
	[tilespmem:$0x18200] =	vst v63  }
0xec: {  	v3 =	vld [tilespmem:$0x120];
	_ =	sdelay $0x4  }
0xed: {  	v50 =	vshll.u32 v3, $0x1  }
0xee: {  	v3 =	vand.u32 $0x7, v3;
	v4 =	vand.u32 $0xFFFFFFF0, v50  }
0xef: {  	v3 =	vor.u32 v3, v4  }
0xf0: {  	v4 =	vperm.xlane v3, v0;
	_ =	sdelay $0x1  }
0xf1: {  	v3 =	vperm.xlane v3, v2;
	v4 =	vadd.s32 v1, v4;
	_ =	sdelay $0x1  }
0xf2: {  	v3 =	vadd.s32 v1, v3;
	_ =	sdelay $0x1  }
0xf3: {  	s14 =	rddreg [dreg:$0x1d]  }
0xf4: {  	[tilespmem:s14], [sflag:$0x5] =	stream.indirect_vreg.gather [hbm4b:s2+s3], $0x80, v4, vm0, $0xb8;
	[tilespmem:$0x18200] =	vst v63  }
0xf5: {  	s16 =	rddreg [dreg:$0x1e]  }
0xf6: {  	[tilespmem:s16], [sflag:$0x5] =	stream.indirect_vreg.gather [hbm4b:s2+s3], $0x80, v3, vm0, $0xb8;
	[tilespmem:$0x18200] =	vst v63  }
0xf7: {  	v3 =	vld [tilespmem:$0x130];
	_ =	sdelay $0x4  }
0xf8: {  	v51 =	vshll.u32 v3, $0x1  }
0xf9: {  	v3 =	vand.u32 $0x7, v3;
	v4 =	vand.u32 $0xFFFFFFF0, v51  }
0xfa: {  	v3 =	vor.u32 v3, v4  }
0xfb: {  	v4 =	vperm.xlane v3, v0;
	_ =	sdelay $0x1  }
0xfc: {  	v3 =	vperm.xlane v3, v2;
	v4 =	vadd.s32 v1, v4;
	_ =	sdelay $0x1  }
0xfd: {  	v3 =	vadd.s32 v1, v3  }
0xfe: {  	s14 =	rddreg [dreg:$0x1f]  }
0xff: {  	s16 =	sld [smem:$0x7F6]  }
0x100: {  	[tilespmem:s14], [sflag:$0x5] =	stream.indirect_vreg.gather [hbm4b:s2+s3], $0x80, v4, vm0, $0xb8;
	[tilespmem:$0x18200] =	vst v63  }
0x101: {  	_ = 	snop  }
0x102: {  	[tilespmem:s16], [sflag:$0x5] =	stream.indirect_vreg.gather [hbm4b:s2+s3], $0x80, v3, vm0, $0xb8;
	[tilespmem:$0x18200] =	vst v63  }
0x103: {  	v3 =	vld [tilespmem:$0x140];
	_ =	sdelay $0x4  }
0x104: {  	v52 =	vshll.u32 v3, $0x1  }
0x105: {  	v3 =	vand.u32 $0x7, v3;
	v4 =	vand.u32 $0xFFFFFFF0, v52  }
0x106: {  	v3 =	vor.u32 v3, v4  }
0x107: {  	v4 =	vperm.xlane v3, v0;
	_ =	sdelay $0x1  }
0x108: {  	v3 =	vperm.xlane v3, v2;
	v4 =	vadd.s32 v1, v4;
	_ =	sdelay $0x1  }
0x109: {  	v3 =	vadd.s32 v1, v3;
	_ =	sdelay $0x1  }
0x10a: {  	s16 =	sld [smem:$0x7F7]  }
0x10b: {  	[tilespmem:s11], [sflag:$0x6] =	stream.indirect_vreg.gather [hbm4b:s2+s3], $0x80, v4, vm0, $0xb8;
	[tilespmem:$0x18200] =	vst v63  }
0x10c: {  	_ = 	snop  }
0x10d: {  	[tilespmem:s16], [sflag:$0x6] =	stream.indirect_vreg.gather [hbm4b:s2+s3], $0x80, v3, vm0, $0xb8;
	[tilespmem:$0x18200] =	vst v63  }
0x10e: {  	v3 =	vld [tilespmem:$0x150];
	_ =	sdelay $0x4  }
0x10f: {  	v53 =	vshll.u32 v3, $0x1  }
0x110: {  	v3 =	vand.u32 $0x7, v3;
	v4 =	vand.u32 $0xFFFFFFF0, v53  }
0x111: {  	v3 =	vor.u32 v3, v4  }
0x112: {  	v4 =	vperm.xlane v3, v0;
	_ =	sdelay $0x1  }
0x113: {  	v3 =	vperm.xlane v3, v2;
	v4 =	vadd.s32 v1, v4;
	_ =	sdelay $0x1  }
0x114: {  	s14 =	sld [smem:$0x7F8];
	v3 =	vadd.s32 v1, v3;
	_ =	sdelay $0x1  }
0x115: {  	s16 =	sld [smem:$0x7F9]  }
0x116: {  	[tilespmem:s14], [sflag:$0x6] =	stream.indirect_vreg.gather [hbm4b:s2+s3], $0x80, v4, vm0, $0xb8;
	[tilespmem:$0x18200] =	vst v63  }
0x117: {  	_ = 	snop  }
0x118: {  	[tilespmem:s16], [sflag:$0x6] =	stream.indirect_vreg.gather [hbm4b:s2+s3], $0x80, v3, vm0, $0xb8;
	[tilespmem:$0x18200] =	vst v63  }
0x119: {  	v3 =	vld [tilespmem:$0x160];
	_ =	sdelay $0x4  }
0x11a: {  	v54 =	vshll.u32 v3, $0x1  }
0x11b: {  	v3 =	vand.u32 $0x7, v3;
	v4 =	vand.u32 $0xFFFFFFF0, v54  }
0x11c: {  	v3 =	vor.u32 v3, v4  }
0x11d: {  	v4 =	vperm.xlane v3, v0;
	_ =	sdelay $0x1  }
0x11e: {  	v3 =	vperm.xlane v3, v2;
	v4 =	vadd.s32 v1, v4;
	_ =	sdelay $0x1  }
0x11f: {  	s14 =	sld [smem:$0x7FA];
	v3 =	vadd.s32 v1, v3;
	_ =	sdelay $0x1  }
0x120: {  	s16 =	sld [smem:$0x7FB]  }
0x121: {  	[tilespmem:s14], [sflag:$0x6] =	stream.indirect_vreg.gather [hbm4b:s2+s3], $0x80, v4, vm0, $0xb8;
	[tilespmem:$0x18200] =	vst v63  }
0x122: {  	_ = 	snop  }
0x123: {  	[tilespmem:s16], [sflag:$0x6] =	stream.indirect_vreg.gather [hbm4b:s2+s3], $0x80, v3, vm0, $0xb8;
	[tilespmem:$0x18200] =	vst v63  }
0x124: {  	v3 =	vld [tilespmem:$0x170];
	_ =	sdelay $0x4  }
0x125: {  	v55 =	vshll.u32 v3, $0x1  }
0x126: {  	v3 =	vand.u32 $0x7, v3;
	v4 =	vand.u32 $0xFFFFFFF0, v55  }
0x127: {  	v3 =	vor.u32 v3, v4  }
0x128: {  	v4 =	vperm.xlane v3, v0;
	_ =	sdelay $0x1  }
0x129: {  	v3 =	vperm.xlane v3, v2;
	v4 =	vadd.s32 v1, v4;
	_ =	sdelay $0x1  }
0x12a: {  	s14 =	sld [smem:$0x7FC];
	v3 =	vadd.s32 v1, v3;
	_ =	sdelay $0x1  }
0x12b: {  	s16 =	sld [smem:$0x7FD]  }
0x12c: {  	[tilespmem:s14], [sflag:$0x6] =	stream.indirect_vreg.gather [hbm4b:s2+s3], $0x80, v4, vm0, $0xb8;
	[tilespmem:$0x18200] =	vst v63  }
0x12d: {  	_ = 	snop  }
0x12e: {  	[tilespmem:s16], [sflag:$0x6] =	stream.indirect_vreg.gather [hbm4b:s2+s3], $0x80, v3, vm0, $0xb8;
	[tilespmem:$0x18200] =	vst v63  }
0x12f: {  	_ =	swait.ge [sflag:s28], $0x4000  }
0x130: {  	s16 =	sld [smem:$0x7F5]  }
0x131: {  	[sflag:s28] =	ssyncset.done $0x0  }
0x132: {  	[sflag:s28] =	ssyncadd.s32 $0xFFFFC000  }
0x133: {  	[hbm4b:s16+s3] =	stream.linear.scatter [tilespmem:s7], [sflag:$0x7], $0x4000, $0x38;
	[tilespmem:$0x18200] =	vst v63  }
0x134: {  	_ =	swait.ge [sflag:s29], $0x4000  }
0x135: {  	[sflag:s29] =	ssyncset.done $0x0  }
0x136: {  	[sflag:s29] =	ssyncadd.s32 $0xFFFFC000  }
0x137: {  	v3 =	vld [tilespmem:$0x180];
	_ =	sdelay $0x4  }
0x138: {  	v56 =	vshll.u32 v3, $0x1  }
0x139: {  	v3 =	vand.u32 $0x7, v3;
	v4 =	vand.u32 $0xFFFFFFF0, v56  }
0x13a: {  	v3 =	vor.u32 v3, v4  }
0x13b: {  	v4 =	vperm.xlane v3, v0;
	_ =	sdelay $0x1  }
0x13c: {  	v3 =	vperm.xlane v3, v2;
	v4 =	vadd.s32 v1, v4;
	_ =	sdelay $0x1  }
0x13d: {  	v3 =	vadd.s32 v1, v3;
	_ =	sdelay $0x2  }
0x13e: {  	[tilespmem:s7], [sflag:$0x1] =	stream.indirect_vreg.gather [hbm4b:s2+s3], $0x80, v4, vm0, $0xb8;
	[tilespmem:$0x18200] =	vst v63  }
0x13f: {  	_ = 	snop  }
0x140: {  	[tilespmem:s17], [sflag:$0x1] =	stream.indirect_vreg.gather [hbm4b:s2+s3], $0x80, v3, vm0, $0xb8;
	[tilespmem:$0x18200] =	vst v63  }
0x141: {  	v3 =	vld [tilespmem:$0x190];
	_ =	sdelay $0x4  }
0x142: {  	v57 =	vshll.u32 v3, $0x1  }
0x143: {  	v3 =	vand.u32 $0x7, v3;
	v4 =	vand.u32 $0xFFFFFFF0, v57  }
0x144: {  	v3 =	vor.u32 v3, v4  }
0x145: {  	v4 =	vperm.xlane v3, v0;
	_ =	sdelay $0x1  }
0x146: {  	v3 =	vperm.xlane v3, v2;
	v4 =	vadd.s32 v1, v4;
	_ =	sdelay $0x1  }
0x147: {  	v3 =	vadd.s32 v1, v3;
	_ =	sdelay $0x2  }
0x148: {  	[tilespmem:s18], [sflag:$0x1] =	stream.indirect_vreg.gather [hbm4b:s2+s3], $0x80, v4, vm0, $0xb8;
	[tilespmem:$0x18200] =	vst v63  }
0x149: {  	_ = 	snop  }
0x14a: {  	[tilespmem:s19], [sflag:$0x1] =	stream.indirect_vreg.gather [hbm4b:s2+s3], $0x80, v3, vm0, $0xb8;
	[tilespmem:$0x18200] =	vst v63  }
0x14b: {  	v3 =	vld [tilespmem:$0x1A0];
	_ =	sdelay $0x4  }
0x14c: {  	v58 =	vshll.u32 v3, $0x1  }
0x14d: {  	v3 =	vand.u32 $0x7, v3;
	v4 =	vand.u32 $0xFFFFFFF0, v58  }
0x14e: {  	v3 =	vor.u32 v3, v4  }
0x14f: {  	v4 =	vperm.xlane v3, v0;
	_ =	sdelay $0x1  }
0x150: {  	v3 =	vperm.xlane v3, v2;
	v4 =	vadd.s32 v1, v4;
	_ =	sdelay $0x1  }
0x151: {  	v3 =	vadd.s32 v1, v3;
	_ =	sdelay $0x2  }
0x152: {  	[tilespmem:s20], [sflag:$0x1] =	stream.indirect_vreg.gather [hbm4b:s2+s3], $0x80, v4, vm0, $0xb8;
	[tilespmem:$0x18200] =	vst v63  }
0x153: {  	_ = 	snop  }
0x154: {  	[tilespmem:s21], [sflag:$0x1] =	stream.indirect_vreg.gather [hbm4b:s2+s3], $0x80, v3, vm0, $0xb8;
	[tilespmem:$0x18200] =	vst v63  }
0x155: {  	v3 =	vld [tilespmem:$0x1B0];
	_ =	sdelay $0x4  }
0x156: {  	v59 =	vshll.u32 v3, $0x1  }
0x157: {  	v3 =	vand.u32 $0x7, v3;
	v4 =	vand.u32 $0xFFFFFFF0, v59  }
0x158: {  	v3 =	vor.u32 v3, v4  }
0x159: {  	v4 =	vperm.xlane v3, v0;
	_ =	sdelay $0x1  }
0x15a: {  	v3 =	vperm.xlane v3, v2;
	v4 =	vadd.s32 v1, v4;
	_ =	sdelay $0x1  }
0x15b: {  	v3 =	vadd.s32 v1, v3;
	_ =	sdelay $0x2  }
0x15c: {  	[tilespmem:s22], [sflag:$0x1] =	stream.indirect_vreg.gather [hbm4b:s2+s3], $0x80, v4, vm0, $0xb8;
	[tilespmem:$0x18200] =	vst v63  }
0x15d: {  	_ = 	snop  }
0x15e: {  	[tilespmem:s23], [sflag:$0x1] =	stream.indirect_vreg.gather [hbm4b:s2+s3], $0x80, v3, vm0, $0xb8;
	[tilespmem:$0x18200] =	vst v63  }
0x15f: {  	_ =	swait.ge [sflag:s30], $0x4000  }
0x160: {  	[sflag:s30] =	ssyncset.done $0x0  }
0x161: {  	s16 =	rddreg [dreg:$0x5];
	[sflag:s30] =	ssyncadd.s32 $0xFFFFC000  }
0x162: {  	[hbm4b:s16+s3] =	stream.linear.scatter [tilespmem:s15], [sflag:$0x8], $0x4000, $0x38;
	[tilespmem:$0x18200] =	vst v63  }
0x163: {  	_ =	swait.ge [sflag:s31], $0x4000  }
0x164: {  	[sflag:s31] =	ssyncset.done $0x0  }
0x165: {  	[sflag:s31] =	ssyncadd.s32 $0xFFFFC000  }
0x166: {  	v3 =	vld [tilespmem:$0x1C0];
	_ =	sdelay $0x4  }
0x167: {  	v60 =	vshll.u32 v3, $0x1  }
0x168: {  	v3 =	vand.u32 $0x7, v3;
	v4 =	vand.u32 $0xFFFFFFF0, v60  }
0x169: {  	v3 =	vor.u32 v3, v4  }
0x16a: {  	v4 =	vperm.xlane v3, v0;
	_ =	sdelay $0x1  }
0x16b: {  	v3 =	vperm.xlane v3, v2;
	v4 =	vadd.s32 v1, v4;
	_ =	sdelay $0x1  }
0x16c: {  	v3 =	vadd.s32 v1, v3;
	_ =	sdelay $0x2  }
0x16d: {  	[tilespmem:s15], [sflag:$0x2] =	stream.indirect_vreg.gather [hbm4b:s2+s3], $0x80, v4, vm0, $0xb8;
	[tilespmem:$0x18200] =	vst v63  }
0x16e: {  	_ = 	snop  }
0x16f: {  	[tilespmem:s24], [sflag:$0x2] =	stream.indirect_vreg.gather [hbm4b:s2+s3], $0x80, v3, vm0, $0xb8;
	[tilespmem:$0x18200] =	vst v63  }
0x170: {  	v3 =	vld [tilespmem:$0x1D0];
	_ =	sdelay $0x4  }
0x171: {  	v61 =	vshll.u32 v3, $0x1  }
0x172: {  	v3 =	vand.u32 $0x7, v3;
	v4 =	vand.u32 $0xFFFFFFF0, v61  }
0x173: {  	v3 =	vor.u32 v3, v4  }
0x174: {  	v4 =	vperm.xlane v3, v0;
	_ =	sdelay $0x1  }
0x175: {  	v3 =	vperm.xlane v3, v2;
	v4 =	vadd.s32 v1, v4;
	_ =	sdelay $0x1  }
0x176: {  	v3 =	vadd.s32 v1, v3;
	_ =	sdelay $0x2  }
0x177: {  	[tilespmem:s25], [sflag:$0x2] =	stream.indirect_vreg.gather [hbm4b:s2+s3], $0x80, v4, vm0, $0xb8;
	[tilespmem:$0x18200] =	vst v63  }
0x178: {  	_ = 	snop  }
0x179: {  	[tilespmem:s26], [sflag:$0x2] =	stream.indirect_vreg.gather [hbm4b:s2+s3], $0x80, v3, vm0, $0xb8;
	[tilespmem:$0x18200] =	vst v63  }
0x17a: {  	v3 =	vld [tilespmem:$0x1E0];
	_ =	sdelay $0x4  }
0x17b: {  	v62 =	vshll.u32 v3, $0x1  }
0x17c: {  	v3 =	vand.u32 $0x7, v3;
	v4 =	vand.u32 $0xFFFFFFF0, v62  }
0x17d: {  	v3 =	vor.u32 v3, v4  }
0x17e: {  	v4 =	vperm.xlane v3, v0;
	_ =	sdelay $0x1  }
0x17f: {  	v3 =	vperm.xlane v3, v2;
	v4 =	vadd.s32 v1, v4;
	_ =	sdelay $0x1  }
0x180: {  	v3 =	vadd.s32 v1, v3;
	_ =	sdelay $0x2  }
0x181: {  	[tilespmem:s4], [sflag:$0x2] =	stream.indirect_vreg.gather [hbm4b:s2+s3], $0x80, v4, vm0, $0xb8;
	[tilespmem:$0x18200] =	vst v63  }
0x182: {  	_ = 	snop  }
0x183: {  	[tilespmem:s6], [sflag:$0x2] =	stream.indirect_vreg.gather [hbm4b:s2+s3], $0x80, v3, vm0, $0xb8;
	[tilespmem:$0x18200] =	vst v63  }
0x184: {  	v3 =	vld [tilespmem:$0x1F0];
	_ =	sdelay $0x4  }
0x185: {  	v63 =	vshll.u32 v3, $0x1  }
0x186: {  	v3 =	vand.u32 $0x7, v3;
	v4 =	vand.u32 $0xFFFFFFF0, v63  }
0x187: {  	v3 =	vor.u32 v3, v4  }
0x188: {  	v4 =	vperm.xlane v3, v0;
	_ =	sdelay $0x1  }
0x189: {  	v3 =	vperm.xlane v3, v2;
	v4 =	vadd.s32 v1, v4;
	_ =	sdelay $0x1  }
0x18a: {  	v3 =	vadd.s32 v1, v3;
	_ =	sdelay $0x2  }
0x18b: {  	[tilespmem:s1], [sflag:$0x2] =	stream.indirect_vreg.gather [hbm4b:s2+s3], $0x80, v4, vm0, $0xb8;
	[tilespmem:$0x18200] =	vst v63  }
0x18c: {  	s16 =	simm.s32 $0x3  }
0x18d: {  	[tilespmem:s0], [sflag:$0x2] =	stream.indirect_vreg.gather [hbm4b:s2+s3], $0x80, v3, vm0, $0xb8;
	[tilespmem:$0x18200] =	vst v63  }
0x18e: {  	_ =	swait.ge [sflag:s16], $0x4000  }
0x18f: {  	[sflag:s16] =	ssyncset.done $0x0  }
0x190: {  	s4 =	rddreg [dreg:$0x6];
	[sflag:s16] =	ssyncadd.s32 $0xFFFFC000;
	s16 =	simm.s32 $0x4  }
0x191: {  	[hbm4b:s4+s3] =	stream.linear.scatter [tilespmem:s8], [sflag:$0x9], $0x4000, $0x38;
	[tilespmem:$0x18200] =	vst v63  }
0x192: {  	_ =	swait.ge [sflag:s16], $0x4000  }
0x193: {  	[sflag:s16] =	ssyncset.done $0x0  }
0x194: {  	s4 =	rddreg [dreg:$0x7];
	[sflag:s16] =	ssyncadd.s32 $0xFFFFC000;
	s16 =	simm.s32 $0x5  }
0x195: {  	[hbm4b:s4+s3] =	stream.linear.scatter [tilespmem:s9], [sflag:$0xA], $0x4000, $0x38;
	[tilespmem:$0x18200] =	vst v63  }
0x196: {  	_ =	swait.ge [sflag:s16], $0x4000  }
0x197: {  	[sflag:s16] =	ssyncset.done $0x0  }
0x198: {  	s14 =	simm.s32 $0x6;
	s4 =	rddreg [dreg:$0x8];
	[sflag:s16] =	ssyncadd.s32 $0xFFFFC000  }
0x199: {  	[hbm4b:s4+s3] =	stream.linear.scatter [tilespmem:s10], [sflag:$0xB], $0x4000, $0x38;
	[tilespmem:$0x18200] =	vst v63  }
0x19a: {  	_ =	swait.ge [sflag:s14], $0x4000  }
0x19b: {  	[sflag:s14] =	ssyncset.done $0x0  }
0x19c: {  	s16 =	rddreg [dreg:$0x9];
	[sflag:s14] =	ssyncadd.s32 $0xFFFFC000  }
0x19d: {  	[hbm4b:s16+s3] =	stream.linear.scatter [tilespmem:s11], [sflag:$0xC], $0x4000, $0x38;
	[tilespmem:$0x18200] =	vst v63  }
0x19e: {  	_ =	swait.ge [sflag:s28], $0x4000  }
0x19f: {  	[sflag:s28] =	ssyncset.done $0x0  }
0x1a0: {  	s0 =	rddreg [dreg:$0xa];
	[sflag:s28] =	ssyncadd.s32 $0xFFFFC000  }
0x1a1: {  	[hbm4b:s0+s3] =	stream.linear.scatter [tilespmem:s7], [sflag:$0x7], $0x4000, $0x38;
	[tilespmem:$0x18200] =	vst v63  }
0x1a2: {  	_ =	swait.ge [sflag:s30], $0x4000  }
0x1a3: {  	[sflag:s30] =	ssyncset.done $0x0  }
0x1a4: {  	s4 =	rddreg [dreg:$0xb];
	[sflag:s30] =	ssyncadd.s32 $0xFFFFC000  }
0x1a5: {  	[hbm4b:s4+s3] =	stream.linear.scatter [tilespmem:s15], [sflag:$0x8], $0x4000, $0x38;
	[tilespmem:$0x18200] =	vst v63  }
0x1a6: {  	_ =	swait.ge [sflag:s29], $0x4000  }
0x1a7: {  	[sflag:s29] =	ssyncset.done $0x0  }
0x1a8: {  	[sflag:s29] =	ssyncadd.s32 $0xFFFFC000  }
0x1a9: {  	_ =	swait.ge [sflag:s31], $0x4000  }
0x1aa: {  	[sflag:s31] =	ssyncset.done $0x0  }
0x1ab: {  	s14 =	simm.s32 $0x9;
	[sflag:s31] =	ssyncadd.s32 $0xFFFFC000  }
0x1ac: {  	_ =	swait.ge [sflag:s14], $0x4000  }
0x1ad: {  	[sflag:s14] =	ssyncset.done $0x0  }
0x1ae: {  	s16 =	simm.s32 $0xA;
	[sflag:s14] =	ssyncadd.s32 $0xFFFFC000  }
0x1af: {  	_ =	swait.ge [sflag:s16], $0x4000  }
0x1b0: {  	[sflag:s16] =	ssyncset.done $0x0  }
0x1b1: {  	[sflag:s16] =	ssyncadd.s32 $0xFFFFC000  }
0x1b2: {  	p0 =	sne.s32 s5, $0x1;
	_ =	swait.ge [sflag:s12], $0x4000  }
.Ltmp0:
0x1b3: {  	[sflag:s12] =	ssyncset.done $0x0;
	(pc) =	sbr.rel @p0 .LBB2_1-.Ltmp0, $4  }
0x1b4: {  	[sflag:s12] =	ssyncadd.s32 $0xFFFFC000  }
0x1b5: {  	_ =	swait.ge [sflag:s13], $0x4000  }
0x1b6: {  	[sflag:s13] =	ssyncset.done $0x0  }
0x1b7: {  	s5 =	sadd.s32 $0xFFFFFFFF, s5;
	[sflag:s13] =	ssyncadd.s32 $0xFFFFC000  }
0x1b8: {  	_ =	sfence.sel $0x180000  }
0x1b9: {  	[bflag:$0x0] =	sbarrier.arrive $0xFFFF  }
0x1ba: {  	_ =	strace $0x90000047  }
0x1bb: {  	s0 =	stileid.u32;
	[bflag:$0x2] =	sbarrier.arrive $0xFFFF  }
0x1bc: {  	p0 =	sne.s32 s0, $0x0;
	s0 =	rddreg [dreg:$0x3]  }
0x1bd: {  	s0 =	sadd.s32 @!p0 $0x100000, s0  }
0x1be: {  	[sflag:s0] =	ssyncadd.tile.s32 @!p0 $0x1;
	_ =	shalt  }
.Lfunc_end2:
_tile_overlayer_lowered:
.L_overlay_start_2:
0x1bf: {  	(tag) =	ssettag $0x2  }
0x1c0: {  	s0 =	rddreg [dreg:$0x0];
	s2 =	stileid.u32  }
0x1c1: {  	s1 =	rddreg [dreg:$0x1];
	p0 =	sne.s32 s2, $0x0  }
0x1c2: {  	s3 =	rddreg [dreg:$0x2];
	[bflag:$0x3] =	sbarrier.arrive $0xFFFF;
	s2 =	simm.s32 @!p0 $0x1C0D  }
0x1c3: {  	[timem:s3], [sflag:s2] =	dma.local @!p0 [hbm:s0], s1  }
0x1c4: {  	s0 =	simm.s32 @!p0 $0xD  }
0x1c5: {  	_ =	swait.ge @!p0 [sflag:s0], s1  }
0x1c6: {  	s1 =	ssub.s32 @!p0 $0x0, s1;
	[sflag:s0] =	ssyncset.done @!p0 $0x0  }
0x1c7: {  	[sflag:s0] =	ssyncadd.s32 @!p0 s1  }
0x1c8: {  	[bflag:$0x3] =	sbarrier.arrive $0xFFFF  }
0x1c9: {  	_ =	shalt  }

</sc_bundles>
